<compile_context>
chip_gen: v7x
topology: tpu7x:2x2x1
jax: 0.10.2.dev20260603
libtpu: 0.0.44.dev20260713+nightly
codegen_flags: <defaults>
</compile_context>

<pallas_src>
import functools

import jax
import jax.numpy as jnp
from jax import lax
from jax.experimental import pallas as pl
from jax.experimental.pallas import tpu as pltpu
from jax.experimental.pallas import tpu_sc as plsc

_NUM_VQ = 512
_NUM_RVQ = 512
_CLIP = 512
_D = 1024
_NQ = 6
_BS = 64
_T = 64

_QM1 = _NQ - 1
_CB = _NUM_RVQ + 2
_ROWS = _QM1 * _CB
_ZROW = _ROWS
_TOK = _BS * _T
_F = 3840
_SCT = _TOK - _F
_NW = 32
_TPW = _SCT // _NW
_G = 8
_RPC = _G * _QM1
_NCHUNK = _TPW // _G
_NIDX = _TPW * _QM1


def _sc_hist_body(table, rfl, qids, hist, r_v, q_v, idx_v, rows_v, rows_v1,
                  out_v, out_v1, sem):
    wid = lax.axis_index("s") * 2 + lax.axis_index("c")
    base = wid * _TPW

    pltpu.sync_copy(rfl.at[wid], r_v)
    pltpu.sync_copy(qids, q_v)

    def idx_step(c, carry):
        p = jnp.minimum(c * 16 + lax.iota(jnp.int32, 16), _NIDX - 1)
        ch = p // _RPC
        g = p - ch * _RPC
        qq = g >> 3
        t_loc = ch * _G + (g & (_G - 1))
        b = (_F + base + t_loc) >> 6
        rv = plsc.load_gather(r_v, [t_loc, qq])
        qid = plsc.load_gather(q_v, [b])
        n = lax.rem(qid + (_QM1 - 1), _QM1)
        flat = jnp.where(qq <= n, qq * _CB + rv, _ZROW)
        idx_v[pl.ds(c * 16, 16)] = flat
        return carry

    lax.fori_loop(0, (_NIDX + 15) // 16, idx_step, 0)

    def start_gather(c, buf):
        off = pl.multiple_of(c * _RPC, 8)
        return pltpu.async_copy(table.at[idx_v.at[pl.ds(off, _RPC)]], buf, sem)

    def wait_gather(buf):
        pltpu.make_async_copy(table.at[idx_v.at[pl.ds(0, _RPC)]], buf, sem).wait()

    def accum(rows, out_ref):
        def dstep(dd, carry2):
            sl = pl.ds(dd * 16, 16)
            for t in range(_G):
                s = rows[0 * _G + t, sl] + rows[1 * _G + t, sl]
                s = s + rows[2 * _G + t, sl]
                s = s + rows[3 * _G + t, sl]
                s = s + rows[4 * _G + t, sl]
                out_ref[t, sl] = s
            return carry2
        lax.fori_loop(0, _D // 16, dstep, 0)

    start_gather(0, rows_v)

    if _NCHUNK == 1:
        wait_gather(rows_v)
        accum(rows_v, out_v)
        pltpu.sync_copy(out_v, hist.at[pl.ds(base, _G)])
    else:
        def pair_step(i, carry):
            c0 = i * 2
            start_gather(c0 + 1, rows_v1)
            wait_gather(rows_v)
            accum(rows_v, out_v)
            pltpu.sync_copy(out_v, hist.at[pl.ds(base + c0 * _G, _G)])

            @pl.when(i < _NCHUNK // 2 - 1)
            def _():
                start_gather(c0 + 2, rows_v)
            wait_gather(rows_v1)
            accum(rows_v1, out_v1)
            pltpu.sync_copy(out_v1, hist.at[pl.ds(base + (c0 + 1) * _G, _G)])
            return carry

        lax.fori_loop(0, _NCHUNK // 2, pair_step, 0)


_sc_hist = pl.kernel(
    _sc_hist_body,
    out_type=jax.ShapeDtypeStruct((_SCT, _D), jnp.float32),
    compiler_params=pltpu.CompilerParams(needs_layout_passes=False),
    mesh=plsc.VectorSubcoreMesh(core_axis_name="c", subcore_axis_name="s",
                                num_cores=2, num_subcores=16),
    scratch_types=[
        pltpu.VMEM((_TPW, _NQ), jnp.int32),
        pltpu.VMEM((_BS,), jnp.int32),
        pltpu.VMEM(((_NIDX + 15) // 16 * 16,), jnp.int32),
        pltpu.VMEM((_RPC, _D), jnp.float32),
        pltpu.VMEM((_RPC, _D), jnp.float32),
        pltpu.VMEM((_G, _D), jnp.float32),
        pltpu.VMEM((_G, _D), jnp.float32),
        pltpu.SemaphoreType.DMA,
    ],
)

_MT = 256


def _tc_body(p_ref, wpose_ref, bpose_ref, clip_ref, wcond_ref, bcond_ref,
             qi_ref, wq_ref, bq_ref, r_ref, qn_ref, tab_ref,
             pemb_ref, cond_ref, qemb_ref, htc_ref):
    pemb_ref[...] = (
        jnp.dot(p_ref[...].astype(jnp.bfloat16),
                wpose_ref[...].astype(jnp.bfloat16),
                preferred_element_type=jnp.float32)
        + bpose_ref[...]
    )

    @pl.when(pl.program_id(0) < _F // _MT)
    def _():
        acc = None
        col = lax.broadcasted_iota(jnp.int32, (_MT, _CB), 1)
        n = qn_ref[...]
        for q in range(_QM1):
            rq = r_ref[:, q:q + 1]
            oh = ((col == rq).astype(jnp.float32)
                  * (q <= n).astype(jnp.float32)).astype(jnp.bfloat16)
            part = jnp.dot(oh, tab_ref[pl.ds(q * _CB, _CB), :],
                           preferred_element_type=jnp.float32)
            acc = part if acc is None else acc + part
        htc_ref[...] = acc

    @pl.when(pl.program_id(0) == 0)
    def _():
        cond_ref[...] = (
            jnp.dot(clip_ref[...], wcond_ref[...],
                    preferred_element_type=jnp.float32)
            + bcond_ref[...]
        )
        ioq = lax.broadcasted_iota(jnp.int32, (_BS, _NQ), 1)
        oh = (ioq == qi_ref[...]).astype(jnp.float32)
        qemb_ref[...] = (
            jnp.dot(oh, wq_ref[...], preferred_element_type=jnp.float32)
            + bq_ref[...]
        )


_tc_call = pl.pallas_call(
    _tc_body,
    grid=(_TOK // _MT,),
    in_specs=[
        pl.BlockSpec((_MT, _NUM_VQ + 2), lambda i: (i, 0)),
        pl.BlockSpec((_NUM_VQ + 2, _D), lambda i: (0, 0)),
        pl.BlockSpec((1, _D), lambda i: (0, 0)),
        pl.BlockSpec((_BS, _CLIP), lambda i: (0, 0)),
        pl.BlockSpec((_CLIP, _D), lambda i: (0, 0)),
        pl.BlockSpec((1, _D), lambda i: (0, 0)),
        pl.BlockSpec((_BS, 1), lambda i: (0, 0)),
        pl.BlockSpec((_NQ, _D), lambda i: (0, 0)),
        pl.BlockSpec((1, _D), lambda i: (0, 0)),
        pl.BlockSpec((_MT, _NQ), lambda i: (jnp.minimum(i, _F // _MT - 1), 0)),
        pl.BlockSpec((_MT, 1), lambda i: (jnp.minimum(i, _F // _MT - 1), 0)),
        pl.BlockSpec((_ROWS, _D), lambda i: (0, 0)),
    ],
    out_specs=[
        pl.BlockSpec((_MT, _D), lambda i: (i, 0)),
        pl.BlockSpec((_BS, _D), lambda i: (0, 0)),
        pl.BlockSpec((_BS, _D), lambda i: (0, 0)),
        pl.BlockSpec((_MT, _D), lambda i: (jnp.minimum(i, _F // _MT - 1), 0)),
    ],
    out_shape=[
        jax.ShapeDtypeStruct((_TOK, _D), jnp.float32),
        jax.ShapeDtypeStruct((_BS, _D), jnp.float32),
        jax.ShapeDtypeStruct((_BS, _D), jnp.float32),
        jax.ShapeDtypeStruct((_F, _D), jnp.float32),
    ],
)


def kernel(clip_feature, q_ids, p_codes, r_codes, W_cond, b_cond, W_pose,
           b_pose, W_quant, b_quant, token_embed_weight):
    qi = q_ids.astype(jnp.int32)
    table = jnp.concatenate(
        [token_embed_weight.reshape(_ROWS, _D),
         jnp.zeros((1, _D), jnp.float32)], axis=0)
    r2 = r_codes.astype(jnp.int32).reshape(_TOK, _NQ)
    rfl = r2[_F:].reshape(_NW, _TPW, _NQ)

    hist_sc = _sc_hist(table, rfl, qi)

    tab16 = token_embed_weight.reshape(_ROWS, _D).astype(jnp.bfloat16)
    qn_tok = lax.rem(jnp.repeat(qi, _T) + (_QM1 - 1), _QM1)[:_F].reshape(_F, 1)
    pemb, cond, qemb, hist_tc = _tc_call(
        p_codes.reshape(_TOK, _NUM_VQ + 2), W_pose, b_pose.reshape(1, _D),
        clip_feature, W_cond, b_cond.reshape(1, _D),
        qi.reshape(_BS, 1), W_quant, b_quant.reshape(1, _D),
        r2[:_F], qn_tok, tab16)
    hist = jnp.concatenate([hist_tc, hist_sc], axis=0)

    return (cond, qemb, pemb.reshape(_BS, _T, _D), hist.reshape(_BS, _T, _D))

# --- scband reference (transcript-rebuilt; emitter-appended) ---
"""Pipeline reference for scband-input-processor-68023692034370 (READ-ONLY COPY).

The authoritative reference and input builder live on the scoring server;
editing this copy changes nothing except your own understanding.
"""

import jax, jax.numpy as jnp
import numpy as np

NUM_VQ = 512
NUM_RVQ = 512
CLIP_DIM = 512
EMBED_DIM = 1024
NUM_Q = 6
BS = 64
T = 64


def setup_inputs(seed: int = 0) -> dict:
    key = jax.random.key(seed)
    ks = jax.random.split(key, 10)
    clip_feature = jax.random.normal(ks[0], (BS, CLIP_DIM), dtype=jnp.float32)
    q_ids = jax.random.randint(ks[1], (BS,), 0, NUM_Q)
    p_codes = jax.random.normal(ks[2], (BS, T, NUM_VQ + 2), dtype=jnp.float32)
    r_codes = jax.random.randint(ks[3], (BS, T, NUM_Q), 0, NUM_RVQ + 2)
    W_cond = jax.random.normal(ks[4], (CLIP_DIM, EMBED_DIM), dtype=jnp.float32) * 0.02
    b_cond = jnp.zeros((EMBED_DIM,), dtype=jnp.float32)
    W_pose = jax.random.normal(ks[5], (NUM_VQ + 2, EMBED_DIM), dtype=jnp.float32) * 0.02
    b_pose = jnp.zeros((EMBED_DIM,), dtype=jnp.float32)
    W_quant = jax.random.normal(ks[6], (NUM_Q, EMBED_DIM), dtype=jnp.float32) * 0.02
    b_quant = jnp.zeros((EMBED_DIM,), dtype=jnp.float32)
    token_embed_weight = jax.random.normal(ks[7], (NUM_Q - 1, NUM_RVQ + 2, EMBED_DIM), dtype=jnp.float32) * 0.02
    return {
        'clip_feature': clip_feature,
        'q_ids': q_ids,
        'p_codes': p_codes,
        'r_codes': r_codes,
        'W_cond': W_cond, 'b_cond': b_cond,
        'W_pose': W_pose, 'b_pose': b_pose,
        'W_quant': W_quant, 'b_quant': b_quant,
        'token_embed_weight': token_embed_weight,
    }


def reference(clip_feature, q_ids, p_codes, r_codes, W_cond, b_cond, W_pose, b_pose, W_quant, b_quant, token_embed_weight):
    # emb_cond: Linear(clip_dim, embed_dim)
    cond_embeddings = clip_feature @ W_cond + b_cond
    # emb_q_ids: one_hot over num_quantizers then Linear(num_quantizers, embed_dim)
    q_oh = jax.nn.one_hot(q_ids, NUM_Q, dtype=jnp.float32)
    q_emb = q_oh @ W_quant + b_quant
    # emb_pose_codes: Linear(num_vq + 2, embed_dim)
    p_emb = p_codes @ W_pose + b_pose
    # emb_res_codes: gather per-quantizer codebook embeddings, cumsum over quantizer axis,
    # then select the cumulative sum at the active quantizer layer per batch element.
    bs, Tn, Q = r_codes.shape
    Qm1 = Q - 1
    r_sl = r_codes[..., :-1]  # [bs, T, Q-1] (training path: all_indices[..., :-1])
    qidx = jnp.arange(Qm1)
    # all_codes[b, t, q, d] = token_embed_weight[q, r_sl[b, t, q], d]
    all_codes = token_embed_weight[qidx[None, None, :], r_sl]  # [bs, T, Q-1, D]
    all_codes = jnp.transpose(all_codes, (0, 1, 3, 2))  # [bs, T, D, Q-1] matching 'b c d q' layout gathered at dim 1
    cumsum_codes = jnp.cumsum(all_codes, axis=-1)
    active = q_ids.astype(jnp.int32) - 1  # negative wraps, matching torch advanced indexing
    history_sum = cumsum_codes[jnp.arange(bs), :, :, active]  # [bs, T, D]
    return (cond_embeddings, q_emb, p_emb, history_sum)

if __name__ == "__main__":
    import jax
    _d = setup_inputs()
    print(jax.jit(kernel)(*tuple(_d.values())))

</pallas_src>

<mosaic_0001>
#map = affine_map<(d0, d1) -> (0, 0)>
#map1 = affine_map<(d0, d1) -> (0, 0, 0)>
#map2 = affine_map<(d0, d1) -> (0)>
module attributes {stable_mosaic.version = 14 : i64} {
  func.func @_sc_hist_body(%arg0: i32, %arg1: i32, %arg2: memref<2571x1024xf32, #tpu.memory_space<hbm>>, %arg3: memref<32x8x6xi32, #tpu.memory_space<hbm>>, %arg4: memref<64xi32, #tpu.memory_space<hbm>>, %arg5: memref<256x1024xf32, #tpu.memory_space<hbm>>, %arg6: memref<8x6xi32, #tpu.memory_space<vmem>>, %arg7: memref<64xi32, #tpu.memory_space<vmem>>, %arg8: memref<48xi32, #tpu.memory_space<vmem>>, %arg9: memref<40x1024xf32, #tpu.memory_space<vmem>>, %arg10: memref<40x1024xf32, #tpu.memory_space<vmem>>, %arg11: memref<8x1024xf32, #tpu.memory_space<vmem>>, %arg12: memref<8x1024xf32, #tpu.memory_space<vmem>>, %arg13: memref<!tpu.dma_semaphore, #tpu.memory_space<semaphore_mem>>) attributes {dimension_semantics = [#tpu.dimension_semantics<core_parallel>, #tpu.dimension_semantics<subcore_parallel>], iteration_bounds = array<i64: 2, 16>, scalar_prefetch = 0 : i64, scratch_operands = 8 : i64, tpu.core_type = #tpu.core_type<sc_vector_subcore>, window_params = [{transform_indices = #map}, {transform_indices = #map1}, {transform_indices = #map2}, {transform_indices = #map}]} {
    %mul3A = arith.constant 2 : i32
    %mul3A_0 = arith.muli %arg1, %mul3A : i32
    %add3A = arith.addi %mul3A_0, %arg0 : i32
    %mul3A_1 = arith.constant 8 : i32
    %mul3A_2 = arith.muli %add3A, %mul3A_1 : i32
    "tpu.region"() ({
      %run_scoped3A = tpu.sem_alloc : memref<!tpu.dma_semaphore, #tpu.memory_space<semaphore_mem>>
      %dma_start3A_22 = arith.constant 0 : i32
      %dma_start3A_23 = arith.constant 0 : i32
      %dma_start3A_24 = tpu.memref_slice %arg3[%add3A, %dma_start3A_22, %dma_start3A_23] : memref<32x8x6xi32, #tpu.memory_space<hbm>> -> memref<1x8x6xi32, #tpu.memory_space<hbm>>
      %dma_start3A_25 = tpu.memref_squeeze %dma_start3A_24 : memref<1x8x6xi32, #tpu.memory_space<hbm>> -> memref<8x6xi32, #tpu.memory_space<hbm>>
      %dma_start3A_26 = arith.constant 0 : i32
      %dma_start3A_27 = arith.constant 0 : i32
      %dma_start3A_28 = tpu.memref_slice %arg3[%add3A, %dma_start3A_26, %dma_start3A_27] : memref<32x8x6xi32, #tpu.memory_space<hbm>> -> memref<1x8x6xi32, #tpu.memory_space<hbm>>
      %dma_start3A_29 = tpu.memref_squeeze %dma_start3A_28 : memref<1x8x6xi32, #tpu.memory_space<hbm>> -> memref<8x6xi32, #tpu.memory_space<hbm>>
      tpu.enqueue_dma source(%dma_start3A_29 : memref<8x6xi32, #tpu.memory_space<hbm>>) target(%arg6 : memref<8x6xi32, #tpu.memory_space<vmem>>) target_semaphore(%run_scoped3A : memref<!tpu.dma_semaphore, #tpu.memory_space<semaphore_mem>>)
      %dma_wait3A_30 = arith.constant 0 : i32
      %dma_wait3A_31 = arith.constant 0 : i32
      %dma_wait3A_32 = tpu.memref_slice %arg3[%add3A, %dma_wait3A_30, %dma_wait3A_31] : memref<32x8x6xi32, #tpu.memory_space<hbm>> -> memref<1x8x6xi32, #tpu.memory_space<hbm>>
      %dma_wait3A_33 = tpu.memref_squeeze %dma_wait3A_32 : memref<1x8x6xi32, #tpu.memory_space<hbm>> -> memref<8x6xi32, #tpu.memory_space<hbm>>
      %dma_wait3A_34 = arith.constant 0 : i32
      %dma_wait3A_35 = arith.constant 0 : i32
      %dma_wait3A_36 = tpu.memref_slice %arg3[%add3A, %dma_wait3A_34, %dma_wait3A_35] : memref<32x8x6xi32, #tpu.memory_space<hbm>> -> memref<1x8x6xi32, #tpu.memory_space<hbm>>
      %dma_wait3A_37 = tpu.memref_squeeze %dma_wait3A_36 : memref<1x8x6xi32, #tpu.memory_space<hbm>> -> memref<8x6xi32, #tpu.memory_space<hbm>>
      tpu.wait_dma2 semaphore(%run_scoped3A : memref<!tpu.dma_semaphore, #tpu.memory_space<semaphore_mem>>) src(%dma_wait3A_37 : memref<8x6xi32, #tpu.memory_space<hbm>>) dst(%arg6 : memref<8x6xi32, #tpu.memory_space<vmem>>)
      tpu.yield
    }) : () -> ()
    "tpu.region"() ({
      %run_scoped3A = tpu.sem_alloc : memref<!tpu.dma_semaphore, #tpu.memory_space<semaphore_mem>>
      tpu.enqueue_dma source(%arg4 : memref<64xi32, #tpu.memory_space<hbm>>) target(%arg7 : memref<64xi32, #tpu.memory_space<vmem>>) target_semaphore(%run_scoped3A : memref<!tpu.dma_semaphore, #tpu.memory_space<semaphore_mem>>)
      tpu.wait_dma2 semaphore(%run_scoped3A : memref<!tpu.dma_semaphore, #tpu.memory_space<semaphore_mem>>) src(%arg4 : memref<64xi32, #tpu.memory_space<hbm>>) dst(%arg7 : memref<64xi32, #tpu.memory_space<vmem>>)
      tpu.yield
    }) : () -> ()
    %scan3A = arith.constant 0 : i32
    %scan3A_3 = arith.constant 0 : i32
    %scan3A_4 = arith.constant 3 : i32
    %scan3A_5 = arith.addi %scan3A_3, %scan3A_4 : i32
    %scan3A_6 = arith.constant 1 : i32
    scf.for %scan3A_22 = %scan3A_3 to %scan3A_5 step %scan3A_6  : i32 {
      %mul3A_23 = arith.constant 16 : i32
      %mul3A_24 = arith.muli %scan3A_22, %mul3A_23 : i32
      %iota3A = tpu.iota {dimensions = array<i32: 0>} : vector<16xi32>
      %add3A_25 = vector.broadcast %mul3A_24 : i32 to vector<16xi32>
      %add3A_26 = arith.addi %add3A_25, %iota3A : vector<16xi32>
      %min3A = arith.constant 39 : i32
      %min3A_27 = vector.broadcast %min3A : i32 to vector<16xi32>
      %min3A_28 = arith.minsi %add3A_26, %min3A_27 : vector<16xi32>
      %jit3A = arith.constant 40 : i32
      %div3A = vector.broadcast %jit3A : i32 to vector<16xi32>
      %div3A_29 = arith.divsi %min3A_28, %div3A : vector<16xi32>
      %sign3A = arith.constant 0 : i32
      %sign3A_30 = vector.broadcast %sign3A : i32 to vector<16xi32>
      %sign3A_31 = arith.cmpi sgt, %min3A_28, %sign3A_30 : vector<16xi32>
      %sign3A_32 = arith.extui %sign3A_31 : vector<16xi1> to vector<16xi32>
      %sign3A_33 = arith.constant 0 : i32
      %sign3A_34 = vector.broadcast %sign3A_33 : i32 to vector<16xi32>
      %sign3A_35 = arith.cmpi slt, %min3A_28, %sign3A_34 : vector<16xi32>
      %sign3A_36 = arith.extui %sign3A_35 : vector<16xi1> to vector<16xi32>
      %sign3A_37 = arith.subi %sign3A_32, %sign3A_36 : vector<16xi32>
      %sign3A_38 = arith.constant 0 : i32
      %sign3A_39 = arith.cmpi sgt, %jit3A, %sign3A_38 : i32
      %sign3A_40 = arith.extui %sign3A_39 : i1 to i32
      %sign3A_41 = arith.constant 0 : i32
      %sign3A_42 = arith.cmpi slt, %jit3A, %sign3A_41 : i32
      %sign3A_43 = arith.extui %sign3A_42 : i1 to i32
      %sign3A_44 = arith.subi %sign3A_40, %sign3A_43 : i32
      %ne3A = vector.broadcast %sign3A_44 : i32 to vector<16xi32>
      %ne3A_45 = arith.cmpi ne, %sign3A_37, %ne3A : vector<16xi32>
      %rem3A = vector.broadcast %jit3A : i32 to vector<16xi32>
      %rem3A_46 = arith.remsi %min3A_28, %rem3A : vector<16xi32>
      %ne3A_47 = arith.constant 0 : i32
      %ne3A_48 = vector.broadcast %ne3A_47 : i32 to vector<16xi32>
      %ne3A_49 = arith.cmpi ne, %rem3A_46, %ne3A_48 : vector<16xi32>
      %and3A = arith.andi %ne3A_45, %ne3A_49 : vector<16xi1>
      %sub3A = arith.constant 1 : i32
      %sub3A_50 = vector.broadcast %sub3A : i32 to vector<16xi32>
      %sub3A_51 = arith.subi %div3A_29, %sub3A_50 : vector<16xi32>
      %select_n3A = arith.select %and3A, %sub3A_51, %div3A_29 : vector<16xi1>, vector<16xi32>
      %mul3A_52 = arith.constant 40 : i32
      %mul3A_53 = vector.broadcast %mul3A_52 : i32 to vector<16xi32>
      %mul3A_54 = arith.muli %select_n3A, %mul3A_53 : vector<16xi32>
      %sub3A_55 = arith.subi %min3A_28, %mul3A_54 : vector<16xi32>
      %shift_right_arithmetic3A = arith.constant 3 : i32
      %shift_right_arithmetic3A_56 = vector.broadcast %shift_right_arithmetic3A : i32 to vector<16xi32>
      %shift_right_arithmetic3A_57 = arith.shrsi %sub3A_55, %shift_right_arithmetic3A_56 : vector<16xi32>
      %mul3A_58 = arith.constant 8 : i32
      %mul3A_59 = vector.broadcast %mul3A_58 : i32 to vector<16xi32>
      %mul3A_60 = arith.muli %select_n3A, %mul3A_59 : vector<16xi32>
      %and3A_61 = arith.constant 7 : i32
      %and3A_62 = vector.broadcast %and3A_61 : i32 to vector<16xi32>
      %and3A_63 = arith.andi %sub3A_55, %and3A_62 : vector<16xi32>
      %add3A_64 = arith.addi %mul3A_60, %and3A_63 : vector<16xi32>
      %add3A_65 = arith.constant 3840 : i32
      %add3A_66 = arith.addi %add3A_65, %mul3A_2 : i32
      %add3A_67 = vector.broadcast %add3A_66 : i32 to vector<16xi32>
      %add3A_68 = arith.addi %add3A_67, %add3A_64 : vector<16xi32>
      %shift_right_arithmetic3A_69 = arith.constant 6 : i32
      %shift_right_arithmetic3A_70 = vector.broadcast %shift_right_arithmetic3A_69 : i32 to vector<16xi32>
      %shift_right_arithmetic3A_71 = arith.shrsi %add3A_68, %shift_right_arithmetic3A_70 : vector<16xi32>
      %gather3A = tpu.vector_load_idx %arg6[%add3A_64, %shift_right_arithmetic3A_57] : memref<8x6xi32, #tpu.memory_space<vmem>>[vector<16xi32>, vector<16xi32>], vector<16xi32>,
      %gather3A_72 = tpu.vector_load_idx %arg7[%shift_right_arithmetic3A_71] : memref<64xi32, #tpu.memory_space<vmem>>[vector<16xi32>], vector<16xi32>,
      %add3A_73 = arith.constant 4 : i32
      %add3A_74 = vector.broadcast %add3A_73 : i32 to vector<16xi32>
      %add3A_75 = arith.addi %gather3A_72, %add3A_74 : vector<16xi32>
      %rem3A_76 = arith.constant 5 : i32
      %rem3A_77 = vector.broadcast %rem3A_76 : i32 to vector<16xi32>
      %rem3A_78 = arith.remsi %add3A_75, %rem3A_77 : vector<16xi32>
      %le3A = arith.cmpi sle, %shift_right_arithmetic3A_57, %rem3A_78 : vector<16xi32>
      %mul3A_79 = arith.constant 514 : i32
      %mul3A_80 = vector.broadcast %mul3A_79 : i32 to vector<16xi32>
      %mul3A_81 = arith.muli %shift_right_arithmetic3A_57, %mul3A_80 : vector<16xi32>
      %add3A_82 = arith.addi %mul3A_81, %gather3A : vector<16xi32>
      %jit3A_83 = arith.constant 2570 : i32
      %broadcast_in_dim3A = vector.broadcast %jit3A_83 : i32 to vector<16xi32>
      %select_n3A_84 = arith.select %le3A, %add3A_82, %broadcast_in_dim3A : vector<16xi1>, vector<16xi32>
      %mul3A_85 = arith.constant 16 : i32
      %mul3A_86 = arith.muli %scan3A_22, %mul3A_85 : i32
      %swap3A = arith.index_cast %mul3A_86 : i32 to index
      %swap3A_87 = tpu.vector_load %arg8[%swap3A] {strides = array<i32>} : memref<48xi32, #tpu.memory_space<vmem>>, vector<16xi32>,
      tpu.vector_store %arg8[%swap3A], %select_n3A_84 {strides = array<i32>} : memref<48xi32, #tpu.memory_space<vmem>>, vector<16xi32>,
    }
    %scan3A_7 = arith.constant 3 : i32
    %multiple_of3A = arith.constant 0 : i32
    %multiple_of3A_8 = tpu.assume_multiple %multiple_of3A, 8 : i32
    %dma_start3A = tpu.memref_slice %arg8[%multiple_of3A_8] : memref<48xi32, #tpu.memory_space<vmem>> -> memref<40xi32, #tpu.memory_space<vmem>>
    %dma_start3A_9 = arith.constant 0 : i32
    %dma_start3A_10 = arith.constant 0 : i32
    %dma_start3A_11 = tpu.memref_slice %arg2[%dma_start3A_9, %dma_start3A_10] : memref<2571x1024xf32, #tpu.memory_space<hbm>> -> memref<2571x1024xf32, #tpu.memory_space<hbm>>
    tpu.enqueue_indirect_dma source(%dma_start3A_11 : memref<2571x1024xf32, #tpu.memory_space<hbm>>) target(%arg9 : memref<40x1024xf32, #tpu.memory_space<vmem>>) offsets(%dma_start3A : memref<40xi32, #tpu.memory_space<vmem>>) semaphore(%arg13 : memref<!tpu.dma_semaphore, #tpu.memory_space<semaphore_mem>>)
    %dma_wait3A = arith.constant 0 : i32
    %dma_wait3A_12 = tpu.memref_slice %arg8[%dma_wait3A] : memref<48xi32, #tpu.memory_space<vmem>> -> memref<40xi32, #tpu.memory_space<vmem>>
    %dma_wait3A_13 = arith.constant 0 : i32
    %dma_wait3A_14 = arith.constant 0 : i32
    %dma_wait3A_15 = tpu.memref_slice %arg2[%dma_wait3A_13, %dma_wait3A_14] : memref<2571x1024xf32, #tpu.memory_space<hbm>> -> memref<2571x1024xf32, #tpu.memory_space<hbm>>
    tpu.wait_indirect_dma semaphore(%arg13 : memref<!tpu.dma_semaphore, #tpu.memory_space<semaphore_mem>>) src(%dma_wait3A_15 : memref<2571x1024xf32, #tpu.memory_space<hbm>>) dst(%arg9 : memref<40x1024xf32, #tpu.memory_space<vmem>>)
    %scan3A_16 = arith.constant 0 : i32
    %scan3A_17 = arith.constant 0 : i32
    %scan3A_18 = arith.constant 64 : i32
    %scan3A_19 = arith.addi %scan3A_17, %scan3A_18 : i32
    %scan3A_20 = arith.constant 1 : i32
    scf.for %scan3A_22 = %scan3A_17 to %scan3A_19 step %scan3A_20  : i32 {
      %mul3A_23 = arith.constant 16 : i32
      %mul3A_24 = arith.muli %scan3A_22, %mul3A_23 : i32
      %get3A = arith.constant 0 : i32
      %get3A_25 = arith.index_cast %get3A : i32 to index
      %get3A_26 = arith.index_cast %mul3A_24 : i32 to index
      %get3A_27 = tpu.vector_load %arg9[%get3A_25, %get3A_26] {strides = array<i32>} : memref<40x1024xf32, #tpu.memory_space<vmem>>, vector<16xf32>,
      %get3A_28 = arith.constant 8 : i32
      %get3A_29 = arith.index_cast %get3A_28 : i32 to index
      %get3A_30 = arith.index_cast %mul3A_24 : i32 to index
      %get3A_31 = tpu.vector_load %arg9[%get3A_29, %get3A_30] {strides = array<i32>} : memref<40x1024xf32, #tpu.memory_space<vmem>>, vector<16xf32>,
      %add3A_32 = arith.addf %get3A_27, %get3A_31 : vector<16xf32>
      %get3A_33 = arith.constant 16 : i32
      %get3A_34 = arith.index_cast %get3A_33 : i32 to index
      %get3A_35 = arith.index_cast %mul3A_24 : i32 to index
      %get3A_36 = tpu.vector_load %arg9[%get3A_34, %get3A_35] {strides = array<i32>} : memref<40x1024xf32, #tpu.memory_space<vmem>>, vector<16xf32>,
      %add3A_37 = arith.addf %add3A_32, %get3A_36 : vector<16xf32>
      %get3A_38 = arith.constant 24 : i32
      %get3A_39 = arith.index_cast %get3A_38 : i32 to index
      %get3A_40 = arith.index_cast %mul3A_24 : i32 to index
      %get3A_41 = tpu.vector_load %arg9[%get3A_39, %get3A_40] {strides = array<i32>} : memref<40x1024xf32, #tpu.memory_space<vmem>>, vector<16xf32>,
      %add3A_42 = arith.addf %add3A_37, %get3A_41 : vector<16xf32>
      %get3A_43 = arith.constant 32 : i32
      %get3A_44 = arith.index_cast %get3A_43 : i32 to index
      %get3A_45 = arith.index_cast %mul3A_24 : i32 to index
      %get3A_46 = tpu.vector_load %arg9[%get3A_44, %get3A_45] {strides = array<i32>} : memref<40x1024xf32, #tpu.memory_space<vmem>>, vector<16xf32>,
      %add3A_47 = arith.addf %add3A_42, %get3A_46 : vector<16xf32>
      %swap3A = arith.constant 0 : i32
      %swap3A_48 = arith.index_cast %swap3A : i32 to index
      %swap3A_49 = arith.index_cast %mul3A_24 : i32 to index
      %swap3A_50 = tpu.vector_load %arg11[%swap3A_48, %swap3A_49] {strides = array<i32>} : memref<8x1024xf32, #tpu.memory_space<vmem>>, vector<16xf32>,
      tpu.vector_store %arg11[%swap3A_48, %swap3A_49], %add3A_47 {strides = array<i32>} : memref<8x1024xf32, #tpu.memory_space<vmem>>, vector<16xf32>,
      %get3A_51 = arith.constant 1 : i32
      %get3A_52 = arith.index_cast %get3A_51 : i32 to index
      %get3A_53 = arith.index_cast %mul3A_24 : i32 to index
      %get3A_54 = tpu.vector_load %arg9[%get3A_52, %get3A_53] {strides = array<i32>} : memref<40x1024xf32, #tpu.memory_space<vmem>>, vector<16xf32>,
      %get3A_55 = arith.constant 9 : i32
      %get3A_56 = arith.index_cast %get3A_55 : i32 to index
      %get3A_57 = arith.index_cast %mul3A_24 : i32 to index
      %get3A_58 = tpu.vector_load %arg9[%get3A_56, %get3A_57] {strides = array<i32>} : memref<40x1024xf32, #tpu.memory_space<vmem>>, vector<16xf32>,
      %add3A_59 = arith.addf %get3A_54, %get3A_58 : vector<16xf32>
      %get3A_60 = arith.constant 17 : i32
      %get3A_61 = arith.index_cast %get3A_60 : i32 to index
      %get3A_62 = arith.index_cast %mul3A_24 : i32 to index
      %get3A_63 = tpu.vector_load %arg9[%get3A_61, %get3A_62] {strides = array<i32>} : memref<40x1024xf32, #tpu.memory_space<vmem>>, vector<16xf32>,
      %add3A_64 = arith.addf %add3A_59, %get3A_63 : vector<16xf32>
      %get3A_65 = arith.constant 25 : i32
      %get3A_66 = arith.index_cast %get3A_65 : i32 to index
      %get3A_67 = arith.index_cast %mul3A_24 : i32 to index
      %get3A_68 = tpu.vector_load %arg9[%get3A_66, %get3A_67] {strides = array<i32>} : memref<40x1024xf32, #tpu.memory_space<vmem>>, vector<16xf32>,
      %add3A_69 = arith.addf %add3A_64, %get3A_68 : vector<16xf32>
      %get3A_70 = arith.constant 33 : i32
      %get3A_71 = arith.index_cast %get3A_70 : i32 to index
      %get3A_72 = arith.index_cast %mul3A_24 : i32 to index
      %get3A_73 = tpu.vector_load %arg9[%get3A_71, %get3A_72] {strides = array<i32>} : memref<40x1024xf32, #tpu.memory_space<vmem>>, vector<16xf32>,
      %add3A_74 = arith.addf %add3A_69, %get3A_73 : vector<16xf32>
      %swap3A_75 = arith.constant 1 : i32
      %swap3A_76 = arith.index_cast %swap3A_75 : i32 to index
      %swap3A_77 = arith.index_cast %mul3A_24 : i32 to index
      %swap3A_78 = tpu.vector_load %arg11[%swap3A_76, %swap3A_77] {strides = array<i32>} : memref<8x1024xf32, #tpu.memory_space<vmem>>, vector<16xf32>,
      tpu.vector_store %arg11[%swap3A_76, %swap3A_77], %add3A_74 {strides = array<i32>} : memref<8x1024xf32, #tpu.memory_space<vmem>>, vector<16xf32>,
      %get3A_79 = arith.constant 2 : i32
      %get3A_80 = arith.index_cast %get3A_79 : i32 to index
      %get3A_81 = arith.index_cast %mul3A_24 : i32 to index
      %get3A_82 = tpu.vector_load %arg9[%get3A_80, %get3A_81] {strides = array<i32>} : memref<40x1024xf32, #tpu.memory_space<vmem>>, vector<16xf32>,
      %get3A_83 = arith.constant 10 : i32
      %get3A_84 = arith.index_cast %get3A_83 : i32 to index
      %get3A_85 = arith.index_cast %mul3A_24 : i32 to index
      %get3A_86 = tpu.vector_load %arg9[%get3A_84, %get3A_85] {strides = array<i32>} : memref<40x1024xf32, #tpu.memory_space<vmem>>, vector<16xf32>,
      %add3A_87 = arith.addf %get3A_82, %get3A_86 : vector<16xf32>
      %get3A_88 = arith.constant 18 : i32
      %get3A_89 = arith.index_cast %get3A_88 : i32 to index
      %get3A_90 = arith.index_cast %mul3A_24 : i32 to index
      %get3A_91 = tpu.vector_load %arg9[%get3A_89, %get3A_90] {strides = array<i32>} : memref<40x1024xf32, #tpu.memory_space<vmem>>, vector<16xf32>,
      %add3A_92 = arith.addf %add3A_87, %get3A_91 : vector<16xf32>
      %get3A_93 = arith.constant 26 : i32
      %get3A_94 = arith.index_cast %get3A_93 : i32 to index
      %get3A_95 = arith.index_cast %mul3A_24 : i32 to index
      %get3A_96 = tpu.vector_load %arg9[%get3A_94, %get3A_95] {strides = array<i32>} : memref<40x1024xf32, #tpu.memory_space<vmem>>, vector<16xf32>,
      %add3A_97 = arith.addf %add3A_92, %get3A_96 : vector<16xf32>
      %get3A_98 = arith.constant 34 : i32
      %get3A_99 = arith.index_cast %get3A_98 : i32 to index
      %get3A_100 = arith.index_cast %mul3A_24 : i32 to index
      %get3A_101 = tpu.vector_load %arg9[%get3A_99, %get3A_100] {strides = array<i32>} : memref<40x1024xf32, #tpu.memory_space<vmem>>, vector<16xf32>,
      %add3A_102 = arith.addf %add3A_97, %get3A_101 : vector<16xf32>
      %swap3A_103 = arith.constant 2 : i32
      %swap3A_104 = arith.index_cast %swap3A_103 : i32 to index
      %swap3A_105 = arith.index_cast %mul3A_24 : i32 to index
      %swap3A_106 = tpu.vector_load %arg11[%swap3A_104, %swap3A_105] {strides = array<i32>} : memref<8x1024xf32, #tpu.memory_space<vmem>>, vector<16xf32>,
      tpu.vector_store %arg11[%swap3A_104, %swap3A_105], %add3A_102 {strides = array<i32>} : memref<8x1024xf32, #tpu.memory_space<vmem>>, vector<16xf32>,
      %get3A_107 = arith.constant 3 : i32
      %get3A_108 = arith.index_cast %get3A_107 : i32 to index
      %get3A_109 = arith.index_cast %mul3A_24 : i32 to index
      %get3A_110 = tpu.vector_load %arg9[%get3A_108, %get3A_109] {strides = array<i32>} : memref<40x1024xf32, #tpu.memory_space<vmem>>, vector<16xf32>,
      %get3A_111 = arith.constant 11 : i32
      %get3A_112 = arith.index_cast %get3A_111 : i32 to index
      %get3A_113 = arith.index_cast %mul3A_24 : i32 to index
      %get3A_114 = tpu.vector_load %arg9[%get3A_112, %get3A_113] {strides = array<i32>} : memref<40x1024xf32, #tpu.memory_space<vmem>>, vector<16xf32>,
      %add3A_115 = arith.addf %get3A_110, %get3A_114 : vector<16xf32>
      %get3A_116 = arith.constant 19 : i32
      %get3A_117 = arith.index_cast %get3A_116 : i32 to index
      %get3A_118 = arith.index_cast %mul3A_24 : i32 to index
      %get3A_119 = tpu.vector_load %arg9[%get3A_117, %get3A_118] {strides = array<i32>} : memref<40x1024xf32, #tpu.memory_space<vmem>>, vector<16xf32>,
      %add3A_120 = arith.addf %add3A_115, %get3A_119 : vector<16xf32>
      %get3A_121 = arith.constant 27 : i32
      %get3A_122 = arith.index_cast %get3A_121 : i32 to index
      %get3A_123 = arith.index_cast %mul3A_24 : i32 to index
      %get3A_124 = tpu.vector_load %arg9[%get3A_122, %get3A_123] {strides = array<i32>} : memref<40x1024xf32, #tpu.memory_space<vmem>>, vector<16xf32>,
      %add3A_125 = arith.addf %add3A_120, %get3A_124 : vector<16xf32>
      %get3A_126 = arith.constant 35 : i32
      %get3A_127 = arith.index_cast %get3A_126 : i32 to index
      %get3A_128 = arith.index_cast %mul3A_24 : i32 to index
      %get3A_129 = tpu.vector_load %arg9[%get3A_127, %get3A_128] {strides = array<i32>} : memref<40x1024xf32, #tpu.memory_space<vmem>>, vector<16xf32>,
      %add3A_130 = arith.addf %add3A_125, %get3A_129 : vector<16xf32>
      %swap3A_131 = arith.constant 3 : i32
      %swap3A_132 = arith.index_cast %swap3A_131 : i32 to index
      %swap3A_133 = arith.index_cast %mul3A_24 : i32 to index
      %swap3A_134 = tpu.vector_load %arg11[%swap3A_132, %swap3A_133] {strides = array<i32>} : memref<8x1024xf32, #tpu.memory_space<vmem>>, vector<16xf32>,
      tpu.vector_store %arg11[%swap3A_132, %swap3A_133], %add3A_130 {strides = array<i32>} : memref<8x1024xf32, #tpu.memory_space<vmem>>, vector<16xf32>,
      %get3A_135 = arith.constant 4 : i32
      %get3A_136 = arith.index_cast %get3A_135 : i32 to index
      %get3A_137 = arith.index_cast %mul3A_24 : i32 to index
      %get3A_138 = tpu.vector_load %arg9[%get3A_136, %get3A_137] {strides = array<i32>} : memref<40x1024xf32, #tpu.memory_space<vmem>>, vector<16xf32>,
      %get3A_139 = arith.constant 12 : i32
      %get3A_140 = arith.index_cast %get3A_139 : i32 to index
      %get3A_141 = arith.index_cast %mul3A_24 : i32 to index
      %get3A_142 = tpu.vector_load %arg9[%get3A_140, %get3A_141] {strides = array<i32>} : memref<40x1024xf32, #tpu.memory_space<vmem>>, vector<16xf32>,
      %add3A_143 = arith.addf %get3A_138, %get3A_142 : vector<16xf32>
      %get3A_144 = arith.constant 20 : i32
      %get3A_145 = arith.index_cast %get3A_144 : i32 to index
      %get3A_146 = arith.index_cast %mul3A_24 : i32 to index
      %get3A_147 = tpu.vector_load %arg9[%get3A_145, %get3A_146] {strides = array<i32>} : memref<40x1024xf32, #tpu.memory_space<vmem>>, vector<16xf32>,
      %add3A_148 = arith.addf %add3A_143, %get3A_147 : vector<16xf32>
      %get3A_149 = arith.constant 28 : i32
      %get3A_150 = arith.index_cast %get3A_149 : i32 to index
      %get3A_151 = arith.index_cast %mul3A_24 : i32 to index
      %get3A_152 = tpu.vector_load %arg9[%get3A_150, %get3A_151] {strides = array<i32>} : memref<40x1024xf32, #tpu.memory_space<vmem>>, vector<16xf32>,
      %add3A_153 = arith.addf %add3A_148, %get3A_152 : vector<16xf32>
      %get3A_154 = arith.constant 36 : i32
      %get3A_155 = arith.index_cast %get3A_154 : i32 to index
      %get3A_156 = arith.index_cast %mul3A_24 : i32 to index
      %get3A_157 = tpu.vector_load %arg9[%get3A_155, %get3A_156] {strides = array<i32>} : memref<40x1024xf32, #tpu.memory_space<vmem>>, vector<16xf32>,
      %add3A_158 = arith.addf %add3A_153, %get3A_157 : vector<16xf32>
      %swap3A_159 = arith.constant 4 : i32
      %swap3A_160 = arith.index_cast %swap3A_159 : i32 to index
      %swap3A_161 = arith.index_cast %mul3A_24 : i32 to index
      %swap3A_162 = tpu.vector_load %arg11[%swap3A_160, %swap3A_161] {strides = array<i32>} : memref<8x1024xf32, #tpu.memory_space<vmem>>, vector<16xf32>,
      tpu.vector_store %arg11[%swap3A_160, %swap3A_161], %add3A_158 {strides = array<i32>} : memref<8x1024xf32, #tpu.memory_space<vmem>>, vector<16xf32>,
      %get3A_163 = arith.constant 5 : i32
      %get3A_164 = arith.index_cast %get3A_163 : i32 to index
      %get3A_165 = arith.index_cast %mul3A_24 : i32 to index
      %get3A_166 = tpu.vector_load %arg9[%get3A_164, %get3A_165] {strides = array<i32>} : memref<40x1024xf32, #tpu.memory_space<vmem>>, vector<16xf32>,
      %get3A_167 = arith.constant 13 : i32
      %get3A_168 = arith.index_cast %get3A_167 : i32 to index
      %get3A_169 = arith.index_cast %mul3A_24 : i32 to index
      %get3A_170 = tpu.vector_load %arg9[%get3A_168, %get3A_169] {strides = array<i32>} : memref<40x1024xf32, #tpu.memory_space<vmem>>, vector<16xf32>,
      %add3A_171 = arith.addf %get3A_166, %get3A_170 : vector<16xf32>
      %get3A_172 = arith.constant 21 : i32
      %get3A_173 = arith.index_cast %get3A_172 : i32 to index
      %get3A_174 = arith.index_cast %mul3A_24 : i32 to index
      %get3A_175 = tpu.vector_load %arg9[%get3A_173, %get3A_174] {strides = array<i32>} : memref<40x1024xf32, #tpu.memory_space<vmem>>, vector<16xf32>,
      %add3A_176 = arith.addf %add3A_171, %get3A_175 : vector<16xf32>
      %get3A_177 = arith.constant 29 : i32
      %get3A_178 = arith.index_cast %get3A_177 : i32 to index
      %get3A_179 = arith.index_cast %mul3A_24 : i32 to index
      %get3A_180 = tpu.vector_load %arg9[%get3A_178, %get3A_179] {strides = array<i32>} : memref<40x1024xf32, #tpu.memory_space<vmem>>, vector<16xf32>,
      %add3A_181 = arith.addf %add3A_176, %get3A_180 : vector<16xf32>
      %get3A_182 = arith.constant 37 : i32
      %get3A_183 = arith.index_cast %get3A_182 : i32 to index
      %get3A_184 = arith.index_cast %mul3A_24 : i32 to index
      %get3A_185 = tpu.vector_load %arg9[%get3A_183, %get3A_184] {strides = array<i32>} : memref<40x1024xf32, #tpu.memory_space<vmem>>, vector<16xf32>,
      %add3A_186 = arith.addf %add3A_181, %get3A_185 : vector<16xf32>
      %swap3A_187 = arith.constant 5 : i32
      %swap3A_188 = arith.index_cast %swap3A_187 : i32 to index
      %swap3A_189 = arith.index_cast %mul3A_24 : i32 to index
      %swap3A_190 = tpu.vector_load %arg11[%swap3A_188, %swap3A_189] {strides = array<i32>} : memref<8x1024xf32, #tpu.memory_space<vmem>>, vector<16xf32>,
      tpu.vector_store %arg11[%swap3A_188, %swap3A_189], %add3A_186 {strides = array<i32>} : memref<8x1024xf32, #tpu.memory_space<vmem>>, vector<16xf32>,
      %get3A_191 = arith.constant 6 : i32
      %get3A_192 = arith.index_cast %get3A_191 : i32 to index
      %get3A_193 = arith.index_cast %mul3A_24 : i32 to index
      %get3A_194 = tpu.vector_load %arg9[%get3A_192, %get3A_193] {strides = array<i32>} : memref<40x1024xf32, #tpu.memory_space<vmem>>, vector<16xf32>,
      %get3A_195 = arith.constant 14 : i32
      %get3A_196 = arith.index_cast %get3A_195 : i32 to index
      %get3A_197 = arith.index_cast %mul3A_24 : i32 to index
      %get3A_198 = tpu.vector_load %arg9[%get3A_196, %get3A_197] {strides = array<i32>} : memref<40x1024xf32, #tpu.memory_space<vmem>>, vector<16xf32>,
      %add3A_199 = arith.addf %get3A_194, %get3A_198 : vector<16xf32>
      %get3A_200 = arith.constant 22 : i32
      %get3A_201 = arith.index_cast %get3A_200 : i32 to index
      %get3A_202 = arith.index_cast %mul3A_24 : i32 to index
      %get3A_203 = tpu.vector_load %arg9[%get3A_201, %get3A_202] {strides = array<i32>} : memref<40x1024xf32, #tpu.memory_space<vmem>>, vector<16xf32>,
      %add3A_204 = arith.addf %add3A_199, %get3A_203 : vector<16xf32>
      %get3A_205 = arith.constant 30 : i32
      %get3A_206 = arith.index_cast %get3A_205 : i32 to index
      %get3A_207 = arith.index_cast %mul3A_24 : i32 to index
      %get3A_208 = tpu.vector_load %arg9[%get3A_206, %get3A_207] {strides = array<i32>} : memref<40x1024xf32, #tpu.memory_space<vmem>>, vector<16xf32>,
      %add3A_209 = arith.addf %add3A_204, %get3A_208 : vector<16xf32>
      %get3A_210 = arith.constant 38 : i32
      %get3A_211 = arith.index_cast %get3A_210 : i32 to index
      %get3A_212 = arith.index_cast %mul3A_24 : i32 to index
      %get3A_213 = tpu.vector_load %arg9[%get3A_211, %get3A_212] {strides = array<i32>} : memref<40x1024xf32, #tpu.memory_space<vmem>>, vector<16xf32>,
      %add3A_214 = arith.addf %add3A_209, %get3A_213 : vector<16xf32>
      %swap3A_215 = arith.constant 6 : i32
      %swap3A_216 = arith.index_cast %swap3A_215 : i32 to index
      %swap3A_217 = arith.index_cast %mul3A_24 : i32 to index
      %swap3A_218 = tpu.vector_load %arg11[%swap3A_216, %swap3A_217] {strides = array<i32>} : memref<8x1024xf32, #tpu.memory_space<vmem>>, vector<16xf32>,
      tpu.vector_store %arg11[%swap3A_216, %swap3A_217], %add3A_214 {strides = array<i32>} : memref<8x1024xf32, #tpu.memory_space<vmem>>, vector<16xf32>,
      %get3A_219 = arith.constant 7 : i32
      %get3A_220 = arith.index_cast %get3A_219 : i32 to index
      %get3A_221 = arith.index_cast %mul3A_24 : i32 to index
      %get3A_222 = tpu.vector_load %arg9[%get3A_220, %get3A_221] {strides = array<i32>} : memref<40x1024xf32, #tpu.memory_space<vmem>>, vector<16xf32>,
      %get3A_223 = arith.constant 15 : i32
      %get3A_224 = arith.index_cast %get3A_223 : i32 to index
      %get3A_225 = arith.index_cast %mul3A_24 : i32 to index
      %get3A_226 = tpu.vector_load %arg9[%get3A_224, %get3A_225] {strides = array<i32>} : memref<40x1024xf32, #tpu.memory_space<vmem>>, vector<16xf32>,
      %add3A_227 = arith.addf %get3A_222, %get3A_226 : vector<16xf32>
      %get3A_228 = arith.constant 23 : i32
      %get3A_229 = arith.index_cast %get3A_228 : i32 to index
      %get3A_230 = arith.index_cast %mul3A_24 : i32 to index
      %get3A_231 = tpu.vector_load %arg9[%get3A_229, %get3A_230] {strides = array<i32>} : memref<40x1024xf32, #tpu.memory_space<vmem>>, vector<16xf32>,
      %add3A_232 = arith.addf %add3A_227, %get3A_231 : vector<16xf32>
      %get3A_233 = arith.constant 31 : i32
      %get3A_234 = arith.index_cast %get3A_233 : i32 to index
      %get3A_235 = arith.index_cast %mul3A_24 : i32 to index
      %get3A_236 = tpu.vector_load %arg9[%get3A_234, %get3A_235] {strides = array<i32>} : memref<40x1024xf32, #tpu.memory_space<vmem>>, vector<16xf32>,
      %add3A_237 = arith.addf %add3A_232, %get3A_236 : vector<16xf32>
      %get3A_238 = arith.constant 39 : i32
      %get3A_239 = arith.index_cast %get3A_238 : i32 to index
      %get3A_240 = arith.index_cast %mul3A_24 : i32 to index
      %get3A_241 = tpu.vector_load %arg9[%get3A_239, %get3A_240] {strides = array<i32>} : memref<40x1024xf32, #tpu.memory_space<vmem>>, vector<16xf32>,
      %add3A_242 = arith.addf %add3A_237, %get3A_241 : vector<16xf32>
      %swap3A_243 = arith.constant 7 : i32
      %swap3A_244 = arith.index_cast %swap3A_243 : i32 to index
      %swap3A_245 = arith.index_cast %mul3A_24 : i32 to index
      %swap3A_246 = tpu.vector_load %arg11[%swap3A_244, %swap3A_245] {strides = array<i32>} : memref<8x1024xf32, #tpu.memory_space<vmem>>, vector<16xf32>,
      tpu.vector_store %arg11[%swap3A_244, %swap3A_245], %add3A_242 {strides = array<i32>} : memref<8x1024xf32, #tpu.memory_space<vmem>>, vector<16xf32>,
    }
    %scan3A_21 = arith.constant 64 : i32
    "tpu.region"() ({
      %run_scoped3A = tpu.sem_alloc : memref<!tpu.dma_semaphore, #tpu.memory_space<semaphore_mem>>
      %dma_start3A_22 = arith.constant 0 : i32
      %dma_start3A_23 = tpu.memref_slice %arg5[%mul3A_2, %dma_start3A_22] : memref<256x1024xf32, #tpu.memory_space<hbm>> -> memref<8x1024xf32, #tpu.memory_space<hbm>>
      %dma_start3A_24 = arith.constant 0 : i32
      %dma_start3A_25 = tpu.memref_slice %arg5[%mul3A_2, %dma_start3A_24] : memref<256x1024xf32, #tpu.memory_space<hbm>> -> memref<8x1024xf32, #tpu.memory_space<hbm>>
      tpu.enqueue_dma source(%arg11 : memref<8x1024xf32, #tpu.memory_space<vmem>>) target(%dma_start3A_25 : memref<8x1024xf32, #tpu.memory_space<hbm>>) target_semaphore(%run_scoped3A : memref<!tpu.dma_semaphore, #tpu.memory_space<semaphore_mem>>)
      %dma_wait3A_26 = arith.constant 0 : i32
      %dma_wait3A_27 = tpu.memref_slice %arg5[%mul3A_2, %dma_wait3A_26] : memref<256x1024xf32, #tpu.memory_space<hbm>> -> memref<8x1024xf32, #tpu.memory_space<hbm>>
      %dma_wait3A_28 = arith.constant 0 : i32
      %dma_wait3A_29 = tpu.memref_slice %arg5[%mul3A_2, %dma_wait3A_28] : memref<256x1024xf32, #tpu.memory_space<hbm>> -> memref<8x1024xf32, #tpu.memory_space<hbm>>
      tpu.wait_dma2 semaphore(%run_scoped3A : memref<!tpu.dma_semaphore, #tpu.memory_space<semaphore_mem>>) src(%arg11 : memref<8x1024xf32, #tpu.memory_space<vmem>>) dst(%dma_wait3A_29 : memref<8x1024xf32, #tpu.memory_space<hbm>>)
      tpu.yield
    }) : () -> ()
    return
  }
}

module attributes {stable_mosaic.version = 14 : i64} {
  func.func @_tc_body(%arg0: i32, %arg1: memref<256x514xf32, #tpu.memory_space<vmem>>, %arg2: memref<514x1024xf32, #tpu.memory_space<vmem>>, %arg3: memref<1x1024xf32, #tpu.memory_space<vmem>>, %arg4: memref<64x512xf32, #tpu.memory_space<vmem>>, %arg5: memref<512x1024xf32, #tpu.memory_space<vmem>>, %arg6: memref<1x1024xf32, #tpu.memory_space<vmem>>, %arg7: memref<64x1xi32, #tpu.memory_space<vmem>>, %arg8: memref<6x1024xf32, #tpu.memory_space<vmem>>, %arg9: memref<1x1024xf32, #tpu.memory_space<vmem>>, %arg10: memref<256x6xi32, #tpu.memory_space<vmem>>, %arg11: memref<256x1xi32, #tpu.memory_space<vmem>>, %arg12: memref<2570x1024xbf16, #tpu.memory_space<vmem>>, %arg13: memref<256x1024xf32, #tpu.memory_space<vmem>>, %arg14: memref<64x1024xf32, #tpu.memory_space<vmem>>, %arg15: memref<64x1024xf32, #tpu.memory_space<vmem>>, %arg16: memref<256x1024xf32, #tpu.memory_space<vmem>>) attributes {dimension_semantics = [#tpu.dimension_semantics<arbitrary>], iteration_bounds = array<i64: 16>, scalar_prefetch = 0 : i64, scratch_operands = 0 : i64, tpu.core_type = #tpu.core_type<tc>, window_params = [{transform_indices = @transform_0, window_bounds = array<i64: 256, 514>}, {pipeline_mode = #tpu.pipeline_mode<synchronous>, transform_indices = @transform_1, window_bounds = array<i64: 514, 1024>}, {pipeline_mode = #tpu.pipeline_mode<synchronous>, transform_indices = @transform_2, window_bounds = array<i64: 1, 1024>}, {pipeline_mode = #tpu.pipeline_mode<synchronous>, transform_indices = @transform_3, window_bounds = array<i64: 64, 512>}, {pipeline_mode = #tpu.pipeline_mode<synchronous>, transform_indices = @transform_4, window_bounds = array<i64: 512, 1024>}, {pipeline_mode = #tpu.pipeline_mode<synchronous>, transform_indices = @transform_5, window_bounds = array<i64: 1, 1024>}, {pipeline_mode = #tpu.pipeline_mode<synchronous>, transform_indices = @transform_6, window_bounds = array<i64: 64, 1>}, {pipeline_mode = #tpu.pipeline_mode<synchronous>, transform_indices = @transform_7, window_bounds = array<i64: 6, 1024>}, {pipeline_mode = #tpu.pipeline_mode<synchronous>, transform_indices = @transform_8, window_bounds = array<i64: 1, 1024>}, {transform_indices = @transform_9, window_bounds = array<i64: 256, 6>}, {transform_indices = @transform_10, window_bounds = array<i64: 256, 1>}, {pipeline_mode = #tpu.pipeline_mode<synchronous>, transform_indices = @transform_11, window_bounds = array<i64: 2570, 1024>}, {transform_indices = @transform_12, window_bounds = array<i64: 256, 1024>}, {pipeline_mode = #tpu.pipeline_mode<synchronous>, transform_indices = @transform_13, window_bounds = array<i64: 64, 1024>}, {pipeline_mode = #tpu.pipeline_mode<synchronous>, transform_indices = @transform_14, window_bounds = array<i64: 64, 1024>}, {transform_indices = @transform_15, window_bounds = array<i64: 256, 1024>}]} {
    %get3A = arith.constant 0 : index
    %get3A_0 = arith.constant 0 : index
    %get3A_1 = vector.load %arg1[%get3A, %get3A_0] : memref<256x514xf32, #tpu.memory_space<vmem>>, vector<256x514xf32>
    %convert_element_type3A = arith.truncf %get3A_1 : vector<256x514xf32> to vector<256x514xbf16>
    %get3A_2 = arith.constant 0 : index
    %get3A_3 = arith.constant 0 : index
    %get3A_4 = vector.load %arg2[%get3A_2, %get3A_3] : memref<514x1024xf32, #tpu.memory_space<vmem>>, vector<514x1024xf32>
    %convert_element_type3A_5 = arith.truncf %get3A_4 : vector<514x1024xf32> to vector<514x1024xbf16>
    %dot_general3A = arith.constant dense<0.000000e+00> : vector<256x1024xf32>
    %dot_general3A_6 = tpu.matmul %convert_element_type3A, %convert_element_type3A_5, %dot_general3A {dimension_numbers = #tpu.dot_dimension_numbers<[1], [0], [0], [1], [0, 0, 1, 1], [], []>, transpose_lhs_hint = false} : vector<256x514xbf16>, vector<514x1024xbf16>, vector<256x1024xf32> -> vector<256x1024xf32>
    %get3A_7 = arith.constant 0 : index
    %get3A_8 = arith.constant 0 : index
    %get3A_9 = vector.load %arg3[%get3A_7, %get3A_8] : memref<1x1024xf32, #tpu.memory_space<vmem>>, vector<1x1024xf32>
    %add3A = vector.broadcast %get3A_9 : vector<1x1024xf32> to vector<256x1024xf32>
    %add3A_10 = arith.addf %dot_general3A_6, %add3A : vector<256x1024xf32>
    %swap3A = arith.constant 0 : index
    %swap3A_11 = arith.constant 0 : index
    %swap3A_12 = vector.load %arg13[%swap3A, %swap3A_11] : memref<256x1024xf32, #tpu.memory_space<vmem>>, vector<256x1024xf32>
    tpu.vector_store %arg13[%swap3A, %swap3A_11], %add3A_10 {strides = array<i32>} : memref<256x1024xf32, #tpu.memory_space<vmem>>, vector<256x1024xf32>,
    %lt3A = arith.constant 15 : i32
    %lt3A_13 = arith.cmpi slt, %arg0, %lt3A : i32
    %convert_element_type3A_14 = arith.extui %lt3A_13 : i1 to i32
    %cond3A = arith.constant 0 : i32
    %cond3A_15 = arith.cmpi ne, %convert_element_type3A_14, %cond3A : i32
    scf.if %cond3A_15 {
      %iota3A = tpu.iota {dimensions = array<i32: 1>} : vector<256x514xi32>
      %get3A_20 = arith.constant 0 : index
      %get3A_21 = arith.constant 0 : index
      %get3A_22 = vector.load %arg11[%get3A_20, %get3A_21] : memref<256x1xi32, #tpu.memory_space<vmem>>, vector<256x1xi32>
      %get3A_23 = arith.constant 0 : index
      %get3A_24 = arith.constant 0 : index
      %get3A_25 = vector.load %arg10[%get3A_23, %get3A_24] : memref<256x6xi32, #tpu.memory_space<vmem>>, vector<256x1xi32>
      %eq3A_26 = vector.broadcast %get3A_25 : vector<256x1xi32> to vector<256x514xi32>
      %eq3A_27 = arith.cmpi eq, %iota3A, %eq3A_26 : vector<256x514xi32>
      %convert_element_type3A_28 = arith.extui %eq3A_27 : vector<256x514xi1> to vector<256x514xi32>
      %convert_element_type3A_29 = arith.sitofp %convert_element_type3A_28 : vector<256x514xi32> to vector<256x514xf32>
      %ge3A = arith.constant 0 : i32
      %ge3A_30 = vector.broadcast %ge3A : i32 to vector<256x1xi32>
      %ge3A_31 = arith.cmpi sge, %get3A_22, %ge3A_30 : vector<256x1xi32>
      %convert_element_type3A_32 = arith.extui %ge3A_31 : vector<256x1xi1> to vector<256x1xi32>
      %convert_element_type3A_33 = arith.sitofp %convert_element_type3A_32 : vector<256x1xi32> to vector<256x1xf32>
      %mul3A = vector.broadcast %convert_element_type3A_33 : vector<256x1xf32> to vector<256x514xf32>
      %mul3A_34 = arith.mulf %convert_element_type3A_29, %mul3A : vector<256x514xf32>
      %convert_element_type3A_35 = arith.truncf %mul3A_34 : vector<256x514xf32> to vector<256x514xbf16>
      %get3A_36 = arith.constant 0 : index
      %get3A_37 = arith.constant 0 : index
      %get3A_38 = vector.load %arg12[%get3A_36, %get3A_37] : memref<2570x1024xbf16, #tpu.memory_space<vmem>>, vector<514x1024xbf16>
      %dot_general3A_39 = arith.constant dense<0.000000e+00> : vector<256x1024xf32>
      %dot_general3A_40 = tpu.matmul %convert_element_type3A_35, %get3A_38, %dot_general3A_39 {dimension_numbers = #tpu.dot_dimension_numbers<[1], [0], [0], [1], [0, 0, 1, 1], [], []>, transpose_lhs_hint = false} : vector<256x514xbf16>, vector<514x1024xbf16>, vector<256x1024xf32> -> vector<256x1024xf32>
      %get3A_41 = arith.constant 0 : index
      %get3A_42 = arith.constant 1 : index
      %get3A_43 = vector.load %arg10[%get3A_41, %get3A_42] : memref<256x6xi32, #tpu.memory_space<vmem>>, vector<256x1xi32>
      %eq3A_44 = vector.broadcast %get3A_43 : vector<256x1xi32> to vector<256x514xi32>
      %eq3A_45 = arith.cmpi eq, %iota3A, %eq3A_44 : vector<256x514xi32>
      %convert_element_type3A_46 = arith.extui %eq3A_45 : vector<256x514xi1> to vector<256x514xi32>
      %convert_element_type3A_47 = arith.sitofp %convert_element_type3A_46 : vector<256x514xi32> to vector<256x514xf32>
      %ge3A_48 = arith.constant 1 : i32
      %ge3A_49 = vector.broadcast %ge3A_48 : i32 to vector<256x1xi32>
      %ge3A_50 = arith.cmpi sge, %get3A_22, %ge3A_49 : vector<256x1xi32>
      %convert_element_type3A_51 = arith.extui %ge3A_50 : vector<256x1xi1> to vector<256x1xi32>
      %convert_element_type3A_52 = arith.sitofp %convert_element_type3A_51 : vector<256x1xi32> to vector<256x1xf32>
      %mul3A_53 = vector.broadcast %convert_element_type3A_52 : vector<256x1xf32> to vector<256x514xf32>
      %mul3A_54 = arith.mulf %convert_element_type3A_47, %mul3A_53 : vector<256x514xf32>
      %convert_element_type3A_55 = arith.truncf %mul3A_54 : vector<256x514xf32> to vector<256x514xbf16>
      %get3A_56 = arith.constant 514 : index
      %get3A_57 = arith.constant 0 : index
      %get3A_58 = vector.load %arg12[%get3A_56, %get3A_57] : memref<2570x1024xbf16, #tpu.memory_space<vmem>>, vector<514x1024xbf16>
      %dot_general3A_59 = arith.constant dense<0.000000e+00> : vector<256x1024xf32>
      %dot_general3A_60 = tpu.matmul %convert_element_type3A_55, %get3A_58, %dot_general3A_59 {dimension_numbers = #tpu.dot_dimension_numbers<[1], [0], [0], [1], [0, 0, 1, 1], [], []>, transpose_lhs_hint = false} : vector<256x514xbf16>, vector<514x1024xbf16>, vector<256x1024xf32> -> vector<256x1024xf32>
      %add3A_61 = arith.addf %dot_general3A_40, %dot_general3A_60 : vector<256x1024xf32>
      %get3A_62 = arith.constant 0 : index
      %get3A_63 = arith.constant 2 : index
      %get3A_64 = vector.load %arg10[%get3A_62, %get3A_63] : memref<256x6xi32, #tpu.memory_space<vmem>>, vector<256x1xi32>
      %eq3A_65 = vector.broadcast %get3A_64 : vector<256x1xi32> to vector<256x514xi32>
      %eq3A_66 = arith.cmpi eq, %iota3A, %eq3A_65 : vector<256x514xi32>
      %convert_element_type3A_67 = arith.extui %eq3A_66 : vector<256x514xi1> to vector<256x514xi32>
      %convert_element_type3A_68 = arith.sitofp %convert_element_type3A_67 : vector<256x514xi32> to vector<256x514xf32>
      %ge3A_69 = arith.constant 2 : i32
      %ge3A_70 = vector.broadcast %ge3A_69 : i32 to vector<256x1xi32>
      %ge3A_71 = arith.cmpi sge, %get3A_22, %ge3A_70 : vector<256x1xi32>
      %convert_element_type3A_72 = arith.extui %ge3A_71 : vector<256x1xi1> to vector<256x1xi32>
      %convert_element_type3A_73 = arith.sitofp %convert_element_type3A_72 : vector<256x1xi32> to vector<256x1xf32>
      %mul3A_74 = vector.broadcast %convert_element_type3A_73 : vector<256x1xf32> to vector<256x514xf32>
      %mul3A_75 = arith.mulf %convert_element_type3A_68, %mul3A_74 : vector<256x514xf32>
      %convert_element_type3A_76 = arith.truncf %mul3A_75 : vector<256x514xf32> to vector<256x514xbf16>
      %get3A_77 = arith.constant 1028 : index
      %get3A_78 = arith.constant 0 : index
      %get3A_79 = vector.load %arg12[%get3A_77, %get3A_78] : memref<2570x1024xbf16, #tpu.memory_space<vmem>>, vector<514x1024xbf16>
      %dot_general3A_80 = arith.constant dense<0.000000e+00> : vector<256x1024xf32>
      %dot_general3A_81 = tpu.matmul %convert_element_type3A_76, %get3A_79, %dot_general3A_80 {dimension_numbers = #tpu.dot_dimension_numbers<[1], [0], [0], [1], [0, 0, 1, 1], [], []>, transpose_lhs_hint = false} : vector<256x514xbf16>, vector<514x1024xbf16>, vector<256x1024xf32> -> vector<256x1024xf32>
      %add3A_82 = arith.addf %add3A_61, %dot_general3A_81 : vector<256x1024xf32>
      %get3A_83 = arith.constant 0 : index
      %get3A_84 = arith.constant 3 : index
      %get3A_85 = vector.load %arg10[%get3A_83, %get3A_84] : memref<256x6xi32, #tpu.memory_space<vmem>>, vector<256x1xi32>
      %eq3A_86 = vector.broadcast %get3A_85 : vector<256x1xi32> to vector<256x514xi32>
      %eq3A_87 = arith.cmpi eq, %iota3A, %eq3A_86 : vector<256x514xi32>
      %convert_element_type3A_88 = arith.extui %eq3A_87 : vector<256x514xi1> to vector<256x514xi32>
      %convert_element_type3A_89 = arith.sitofp %convert_element_type3A_88 : vector<256x514xi32> to vector<256x514xf32>
      %ge3A_90 = arith.constant 3 : i32
      %ge3A_91 = vector.broadcast %ge3A_90 : i32 to vector<256x1xi32>
      %ge3A_92 = arith.cmpi sge, %get3A_22, %ge3A_91 : vector<256x1xi32>
      %convert_element_type3A_93 = arith.extui %ge3A_92 : vector<256x1xi1> to vector<256x1xi32>
      %convert_element_type3A_94 = arith.sitofp %convert_element_type3A_93 : vector<256x1xi32> to vector<256x1xf32>
      %mul3A_95 = vector.broadcast %convert_element_type3A_94 : vector<256x1xf32> to vector<256x514xf32>
      %mul3A_96 = arith.mulf %convert_element_type3A_89, %mul3A_95 : vector<256x514xf32>
      %convert_element_type3A_97 = arith.truncf %mul3A_96 : vector<256x514xf32> to vector<256x514xbf16>
      %get3A_98 = arith.constant 1542 : index
      %get3A_99 = arith.constant 0 : index
      %get3A_100 = vector.load %arg12[%get3A_98, %get3A_99] : memref<2570x1024xbf16, #tpu.memory_space<vmem>>, vector<514x1024xbf16>
      %dot_general3A_101 = arith.constant dense<0.000000e+00> : vector<256x1024xf32>
      %dot_general3A_102 = tpu.matmul %convert_element_type3A_97, %get3A_100, %dot_general3A_101 {dimension_numbers = #tpu.dot_dimension_numbers<[1], [0], [0], [1], [0, 0, 1, 1], [], []>, transpose_lhs_hint = false} : vector<256x514xbf16>, vector<514x1024xbf16>, vector<256x1024xf32> -> vector<256x1024xf32>
      %add3A_103 = arith.addf %add3A_82, %dot_general3A_102 : vector<256x1024xf32>
      %get3A_104 = arith.constant 0 : index
      %get3A_105 = arith.constant 4 : index
      %get3A_106 = vector.load %arg10[%get3A_104, %get3A_105] : memref<256x6xi32, #tpu.memory_space<vmem>>, vector<256x1xi32>
      %eq3A_107 = vector.broadcast %get3A_106 : vector<256x1xi32> to vector<256x514xi32>
      %eq3A_108 = arith.cmpi eq, %iota3A, %eq3A_107 : vector<256x514xi32>
      %convert_element_type3A_109 = arith.extui %eq3A_108 : vector<256x514xi1> to vector<256x514xi32>
      %convert_element_type3A_110 = arith.sitofp %convert_element_type3A_109 : vector<256x514xi32> to vector<256x514xf32>
      %ge3A_111 = arith.constant 4 : i32
      %ge3A_112 = vector.broadcast %ge3A_111 : i32 to vector<256x1xi32>
      %ge3A_113 = arith.cmpi sge, %get3A_22, %ge3A_112 : vector<256x1xi32>
      %convert_element_type3A_114 = arith.extui %ge3A_113 : vector<256x1xi1> to vector<256x1xi32>
      %convert_element_type3A_115 = arith.sitofp %convert_element_type3A_114 : vector<256x1xi32> to vector<256x1xf32>
      %mul3A_116 = vector.broadcast %convert_element_type3A_115 : vector<256x1xf32> to vector<256x514xf32>
      %mul3A_117 = arith.mulf %convert_element_type3A_110, %mul3A_116 : vector<256x514xf32>
      %convert_element_type3A_118 = arith.truncf %mul3A_117 : vector<256x514xf32> to vector<256x514xbf16>
      %get3A_119 = arith.constant 2056 : index
      %get3A_120 = arith.constant 0 : index
      %get3A_121 = vector.load %arg12[%get3A_119, %get3A_120] : memref<2570x1024xbf16, #tpu.memory_space<vmem>>, vector<514x1024xbf16>
      %dot_general3A_122 = arith.constant dense<0.000000e+00> : vector<256x1024xf32>
      %dot_general3A_123 = tpu.matmul %convert_element_type3A_118, %get3A_121, %dot_general3A_122 {dimension_numbers = #tpu.dot_dimension_numbers<[1], [0], [0], [1], [0, 0, 1, 1], [], []>, transpose_lhs_hint = false} : vector<256x514xbf16>, vector<514x1024xbf16>, vector<256x1024xf32> -> vector<256x1024xf32>
      %add3A_124 = arith.addf %add3A_103, %dot_general3A_123 : vector<256x1024xf32>
      %swap3A_125 = arith.constant 0 : index
      %swap3A_126 = arith.constant 0 : index
      %swap3A_127 = vector.load %arg16[%swap3A_125, %swap3A_126] : memref<256x1024xf32, #tpu.memory_space<vmem>>, vector<256x1024xf32>
      tpu.vector_store %arg16[%swap3A_125, %swap3A_126], %add3A_124 {strides = array<i32>} : memref<256x1024xf32, #tpu.memory_space<vmem>>, vector<256x1024xf32>,
    } else {
    }
    %eq3A = arith.constant 0 : i32
    %eq3A_16 = arith.cmpi eq, %arg0, %eq3A : i32
    %convert_element_type3A_17 = arith.extui %eq3A_16 : i1 to i32
    %cond3A_18 = arith.constant 0 : i32
    %cond3A_19 = arith.cmpi ne, %convert_element_type3A_17, %cond3A_18 : i32
    scf.if %cond3A_19 {
      %get3A_20 = arith.constant 0 : index
      %get3A_21 = arith.constant 0 : index
      %get3A_22 = vector.load %arg4[%get3A_20, %get3A_21] : memref<64x512xf32, #tpu.memory_space<vmem>>, vector<64x512xf32>
      %get3A_23 = arith.constant 0 : index
      %get3A_24 = arith.constant 0 : index
      %get3A_25 = vector.load %arg5[%get3A_23, %get3A_24] : memref<512x1024xf32, #tpu.memory_space<vmem>>, vector<512x1024xf32>
      %dot_general3A_26 = arith.constant dense<0.000000e+00> : vector<64x1024xf32>
      %dot_general3A_27 = tpu.matmul %get3A_22, %get3A_25, %dot_general3A_26 {dimension_numbers = #tpu.dot_dimension_numbers<[1], [0], [0], [1], [0, 0, 1, 1], [], []>, transpose_lhs_hint = false} : vector<64x512xf32>, vector<512x1024xf32>, vector<64x1024xf32> -> vector<64x1024xf32>
      %get3A_28 = arith.constant 0 : index
      %get3A_29 = arith.constant 0 : index
      %get3A_30 = vector.load %arg6[%get3A_28, %get3A_29] : memref<1x1024xf32, #tpu.memory_space<vmem>>, vector<1x1024xf32>
      %add3A_31 = vector.broadcast %get3A_30 : vector<1x1024xf32> to vector<64x1024xf32>
      %add3A_32 = arith.addf %dot_general3A_27, %add3A_31 : vector<64x1024xf32>
      %swap3A_33 = arith.constant 0 : index
      %swap3A_34 = arith.constant 0 : index
      %swap3A_35 = vector.load %arg14[%swap3A_33, %swap3A_34] : memref<64x1024xf32, #tpu.memory_space<vmem>>, vector<64x1024xf32>
      tpu.vector_store %arg14[%swap3A_33, %swap3A_34], %add3A_32 {strides = array<i32>} : memref<64x1024xf32, #tpu.memory_space<vmem>>, vector<64x1024xf32>,
      %iota3A = tpu.iota {dimensions = array<i32: 1>} : vector<64x6xi32>
      %get3A_36 = arith.constant 0 : index
      %get3A_37 = arith.constant 0 : index
      %get3A_38 = vector.load %arg7[%get3A_36, %get3A_37] : memref<64x1xi32, #tpu.memory_space<vmem>>, vector<64x1xi32>
      %eq3A_39 = vector.broadcast %get3A_38 : vector<64x1xi32> to vector<64x6xi32>
      %eq3A_40 = arith.cmpi eq, %iota3A, %eq3A_39 : vector<64x6xi32>
      %convert_element_type3A_41 = arith.extui %eq3A_40 : vector<64x6xi1> to vector<64x6xi32>
      %convert_element_type3A_42 = arith.sitofp %convert_element_type3A_41 : vector<64x6xi32> to vector<64x6xf32>
      %get3A_43 = arith.constant 0 : index
      %get3A_44 = arith.constant 0 : index
      %get3A_45 = vector.load %arg8[%get3A_43, %get3A_44] : memref<6x1024xf32, #tpu.memory_space<vmem>>, vector<6x1024xf32>
      %dot_general3A_46 = arith.constant dense<0.000000e+00> : vector<64x1024xf32>
      %dot_general3A_47 = tpu.matmul %convert_element_type3A_42, %get3A_45, %dot_general3A_46 {dimension_numbers = #tpu.dot_dimension_numbers<[1], [0], [0], [1], [0, 0, 1, 1], [], []>, transpose_lhs_hint = false} : vector<64x6xf32>, vector<6x1024xf32>, vector<64x1024xf32> -> vector<64x1024xf32>
      %get3A_48 = arith.constant 0 : index
      %get3A_49 = arith.constant 0 : index
      %get3A_50 = vector.load %arg9[%get3A_48, %get3A_49] : memref<1x1024xf32, #tpu.memory_space<vmem>>, vector<1x1024xf32>
      %add3A_51 = vector.broadcast %get3A_50 : vector<1x1024xf32> to vector<64x1024xf32>
      %add3A_52 = arith.addf %dot_general3A_47, %add3A_51 : vector<64x1024xf32>
      %swap3A_53 = arith.constant 0 : index
      %swap3A_54 = arith.constant 0 : index
      %swap3A_55 = vector.load %arg15[%swap3A_53, %swap3A_54] : memref<64x1024xf32, #tpu.memory_space<vmem>>, vector<64x1024xf32>
      tpu.vector_store %arg15[%swap3A_53, %swap3A_54], %add3A_52 {strides = array<i32>} : memref<64x1024xf32, #tpu.memory_space<vmem>>, vector<64x1024xf32>,
    } else {
    }
    return
  }
  func.func @transform_0(%arg0: i32) -> (i32, i32) {
    %c0_i32 = arith.constant 0 : i32
    %c0_i32_0 = arith.constant 0 : i32
    return %arg0, %c0_i32 : i32, i32
  }
  func.func @transform_1(%arg0: i32) -> (i32, i32) {
    %c0_i32 = arith.constant 0 : i32
    %c0_i32_0 = arith.constant 0 : i32
    %c0_i32_1 = arith.constant 0 : i32
    return %c0_i32, %c0_i32_0 : i32, i32
  }
  func.func @transform_2(%arg0: i32) -> (i32, i32) {
    %c0_i32 = arith.constant 0 : i32
    %c0_i32_0 = arith.constant 0 : i32
    %c0_i32_1 = arith.constant 0 : i32
    return %c0_i32, %c0_i32_0 : i32, i32
  }
  func.func @transform_3(%arg0: i32) -> (i32, i32) {
    %c0_i32 = arith.constant 0 : i32
    %c0_i32_0 = arith.constant 0 : i32
    %c0_i32_1 = arith.constant 0 : i32
    return %c0_i32, %c0_i32_0 : i32, i32
  }
  func.func @transform_4(%arg0: i32) -> (i32, i32) {
    %c0_i32 = arith.constant 0 : i32
    %c0_i32_0 = arith.constant 0 : i32
    %c0_i32_1 = arith.constant 0 : i32
    return %c0_i32, %c0_i32_0 : i32, i32
  }
  func.func @transform_5(%arg0: i32) -> (i32, i32) {
    %c0_i32 = arith.constant 0 : i32
    %c0_i32_0 = arith.constant 0 : i32
    %c0_i32_1 = arith.constant 0 : i32
    return %c0_i32, %c0_i32_0 : i32, i32
  }
  func.func @transform_6(%arg0: i32) -> (i32, i32) {
    %c0_i32 = arith.constant 0 : i32
    %c0_i32_0 = arith.constant 0 : i32
    %c0_i32_1 = arith.constant 0 : i32
    return %c0_i32, %c0_i32_0 : i32, i32
  }
  func.func @transform_7(%arg0: i32) -> (i32, i32) {
    %c0_i32 = arith.constant 0 : i32
    %c0_i32_0 = arith.constant 0 : i32
    %c0_i32_1 = arith.constant 0 : i32
    return %c0_i32, %c0_i32_0 : i32, i32
  }
  func.func @transform_8(%arg0: i32) -> (i32, i32) {
    %c0_i32 = arith.constant 0 : i32
    %c0_i32_0 = arith.constant 0 : i32
    %c0_i32_1 = arith.constant 0 : i32
    return %c0_i32, %c0_i32_0 : i32, i32
  }
  func.func @transform_9(%arg0: i32) -> (i32, i32) {
    %min3A = arith.constant 14 : i32
    %min3A_0 = arith.minsi %arg0, %min3A : i32
    %c0_i32 = arith.constant 0 : i32
    %c0_i32_1 = arith.constant 0 : i32
    return %min3A_0, %c0_i32 : i32, i32
  }
  func.func @transform_10(%arg0: i32) -> (i32, i32) {
    %min3A = arith.constant 14 : i32
    %min3A_0 = arith.minsi %arg0, %min3A : i32
    %c0_i32 = arith.constant 0 : i32
    %c0_i32_1 = arith.constant 0 : i32
    return %min3A_0, %c0_i32 : i32, i32
  }
  func.func @transform_11(%arg0: i32) -> (i32, i32) {
    %c0_i32 = arith.constant 0 : i32
    %c0_i32_0 = arith.constant 0 : i32
    %c0_i32_1 = arith.constant 0 : i32
    return %c0_i32, %c0_i32_0 : i32, i32
  }
  func.func @transform_12(%arg0: i32) -> (i32, i32) {
    %c0_i32 = arith.constant 0 : i32
    %c0_i32_0 = arith.constant 0 : i32
    return %arg0, %c0_i32 : i32, i32
  }
  func.func @transform_13(%arg0: i32) -> (i32, i32) {
    %c0_i32 = arith.constant 0 : i32
    %c0_i32_0 = arith.constant 0 : i32
    %c0_i32_1 = arith.constant 0 : i32
    return %c0_i32, %c0_i32_0 : i32, i32
  }
  func.func @transform_14(%arg0: i32) -> (i32, i32) {
    %c0_i32 = arith.constant 0 : i32
    %c0_i32_0 = arith.constant 0 : i32
    %c0_i32_1 = arith.constant 0 : i32
    return %c0_i32, %c0_i32_0 : i32, i32
  }
  func.func @transform_15(%arg0: i32) -> (i32, i32) {
    %min3A = arith.constant 14 : i32
    %min3A_0 = arith.minsi %arg0, %min3A : i32
    %c0_i32 = arith.constant 0 : i32
    %c0_i32_1 = arith.constant 0 : i32
    return %min3A_0, %c0_i32 : i32, i32
  }
}

</mosaic_0001>

<sc_bundles>
// kernel: kernel.4.cloned.1.call-start
scs
__scs_entry_jumppad:
0x0: {  	(pc) =	sbr.rel $0x88, $3  }
0x1: {  	(tag) =	ssettag $0x0;
	lr =	simm.s32 $0x1  }
0x2: {  	[smem:$0x3F96] =	sst lr;
	_ =	strace $0xD0000000  }
0x3: {  	_ = 	snop  }
0x4: {  	_ = 	snop  }
0x5: {  	_ = 	snop  }
0x6: {  	_ = 	snop  }
0x7: {  	_ = 	snop  }
__scs_overlays_trampoline_lowered:
0x8: {  	[smem:$0x3FA5] =	sst s0  }
0x9: {  	[smem:$0x3FA6] =	sst s1  }
0xa: {  	[smem:$0x3FA7] =	sst s2  }
0xb: {  	[smem:$0x3FA8] =	sst s3  }
0xc: {  	[smem:$0x3FA9] =	sst s4  }
0xd: {  	[smem:$0x3FAA] =	sst s5  }
0xe: {  	[smem:$0x3FAB] =	sst s6  }
0xf: {  	[smem:$0x3FAC] =	sst s7  }
0x10: {  	[smem:$0x3FAD] =	sst s8  }
0x11: {  	[smem:$0x3FAE] =	sst s9;
	s0 =	simm.s32 @!p0 $0x0  }
0x12: {  	s1 =	sld [smem:$0x3F94];
	s0 =	simm.s32 @p0 $0x1  }
0x13: {  	[smem:$0x3FAF] =	sst s0;
	s0 =	simm.s32 @!p1 $0x0  }
0x14: {  	s2 =	sld [smem:$0x3F93];
	s0 =	simm.s32 @p1 $0x1  }
0x15: {  	[smem:$0x3FB0] =	sst s0;
	s0 =	simm.s32 @!p2 $0x0  }
0x16: {  	s3 =	sld [smem:$0x3FDB];
	s0 =	simm.s32 @p2 $0x1  }
0x17: {  	s4 =	simm.s32 $0x1BF5;
	[smem:$0x3FB2] =	sst s0  }
0x18: {  	s0 =	sld [smem:$0x3F95];
	_ =	swait.ge [sflag:s4], $0x0  }
0x19: {  	s7 =	sld [smem:$0x3F96]  }
0x1a: {  	s8 =	sadd.s32 $0xFFFFE003, lr  }
0x1b: {  	s9 =	sadd.s32 $0xFFFFFEF7, lr;
	s5 =	simm.s32 $0xFFFFFFFF;
	p2 =	slt.u32 s8, $0xFFFFF086  }
0x1c: {  	p1 =	slt.u32 s9, $0xF7A;
	s5 =	simm.s32 @!p2 $0x0  }
0x1d: {  	s5 =	simm.s32 @p1 $0x1;
	p0 =	seq.s32 s7, s2  }
0x1e: {  	s7 =	smul.u32 @!p0 $0xF7A, s2;
	p2 =	seq.s32 @!p0 s5, $0x0  }
0x1f: {  	s9 =	smul.u32 $0xF7A, s1;
	s8 =	simm.s32 @!p0 $0x1BF5;
	p2 =	por !p2, p0  }
0x20: {  	[sflag:s8] =	ssyncset.s32 @!p0 $0xFFFFF086;
	s6 =	sadd.s32 @!p0 s3, s7;
	s7 =	simm.s32 @!p0 $0x108  }
0x21: {  	s3 =	sadd.s32 s3, s9;
	s6 =	sadd.s32 @!p0 $0x88, s6;
	s7 =	simm.s32 @p2 $0x1082  }
0x22: {  	[simem:s7], [sflag:s8] =	dma.local @!p0 [hbm:s6], $0xF7A  }
0x23: {  	s9 =	sor.u32 $0xD0000000, s2;
	s6 =	simm.s32 $0x108;
	_ =	swait.ge @!p0 [sflag:s8], $0x0  }
0x24: {  	s3 =	sadd.s32 $0x88, s3;
	s6 =	simm.s32 @!p1 $0x1082;
	[sflag:s4] =	ssyncset.s32 $0xFFFFF086  }
0x25: {  	[simem:s6], [sflag:s4] =	dma.local [hbm:s3], $0xF7A  }
0x26: {  	[smem:$0x3F96] =	sst s1;
	(tag) =	ssettag s2;
	_ =	strace s9  }
0x27: {  	s1 =	sld [smem:$0x3FA6]  }
0x28: {  	s2 =	sld [smem:$0x3FA7]  }
0x29: {  	s4 =	sld [smem:$0x3FA9]  }
0x2a: {  	p0 =	seq.s32 s5, $0x0;
	s5 =	sld [smem:$0x3FAA]  }
0x2b: {  	s6 =	sld [smem:$0x3FAB]  }
0x2c: {  	s7 =	sld [smem:$0x3FAC]  }
0x2d: {  	s3 =	simm.s32 $0x108;
	s8 =	sld [smem:$0x3FAD]  }
0x2e: {  	s3 =	simm.s32 @!p0 $0x1082;
	s9 =	sld [smem:$0x3FAE]  }
0x2f: {  	lr =	sadd.s32 s0, s3;
	s0 =	sld [smem:$0x3FA5]  }
0x30: {  	s3 =	sld [smem:$0x3FA8]  }
0x31: {  	[smem:$0x3FB1] =	sst s10  }
0x32: {  	s10 =	sld [smem:$0x3FAF];
	_ =	sdelay $0x3  }
0x33: {  	p0 =	seq.s32 s10, $0x1;
	s10 =	sld [smem:$0x3FB1];
	_ =	sdelay $0x3  }
0x34: {  	[smem:$0x3FB1] =	sst s10  }
0x35: {  	s10 =	sld [smem:$0x3FB0];
	_ =	sdelay $0x3  }
0x36: {  	p1 =	seq.s32 s10, $0x1;
	s10 =	sld [smem:$0x3FB1];
	_ =	sdelay $0x3  }
0x37: {  	[smem:$0x3FB1] =	sst s10  }
0x38: {  	s10 =	sld [smem:$0x3FB2]  }
0x39: {  	_ = 	snop;
	(pc) =	sbr.ind lr, $3  }
0x3a: {  	_ = 	snop  }
0x3b: {  	_ = 	snop  }
0x3c: {  	p2 =	seq.s32 s10, $0x1;
	s10 =	sld [smem:$0x3FB1]  }
0x3d: {  	_ =	shalt  }
0x3e: {  	_ =	shalt  }
0x3f: {  	_ =	shalt  }
0x40: {  	_ =	shalt  }
0x41: {  	_ =	shalt  }
0x42: {  	_ =	shalt  }
0x43: {  	_ =	shalt  }
0x44: {  	_ =	shalt  }
0x45: {  	_ =	shalt  }
0x46: {  	_ =	shalt  }
0x47: {  	_ =	shalt  }
0x48: {  	_ =	shalt  }
0x49: {  	_ =	shalt  }
0x4a: {  	_ =	shalt  }
0x4b: {  	_ =	shalt  }
0x4c: {  	_ =	shalt  }
0x4d: {  	_ =	shalt  }
0x4e: {  	_ =	shalt  }
0x4f: {  	_ =	shalt  }
0x50: {  	_ =	shalt  }
0x51: {  	_ =	shalt  }
0x52: {  	_ =	shalt  }
0x53: {  	_ =	shalt  }
0x54: {  	_ =	shalt  }
0x55: {  	_ =	shalt  }
0x56: {  	_ =	shalt  }
0x57: {  	_ =	shalt  }
0x58: {  	_ =	shalt  }
0x59: {  	_ =	shalt  }
0x5a: {  	_ =	shalt  }
0x5b: {  	_ =	shalt  }
0x5c: {  	_ =	shalt  }
0x5d: {  	_ =	shalt  }
0x5e: {  	_ =	shalt  }
0x5f: {  	_ =	shalt  }
0x60: {  	_ =	shalt  }
0x61: {  	_ =	shalt  }
0x62: {  	_ =	shalt  }
0x63: {  	_ =	shalt  }
0x64: {  	_ =	shalt  }
0x65: {  	_ =	shalt  }
0x66: {  	_ =	shalt  }
0x67: {  	_ =	shalt  }
0x68: {  	_ =	shalt  }
0x69: {  	_ =	shalt  }
0x6a: {  	_ =	shalt  }
0x6b: {  	_ =	shalt  }
0x6c: {  	_ =	shalt  }
0x6d: {  	_ =	shalt  }
0x6e: {  	_ =	shalt  }
0x6f: {  	_ =	shalt  }
0x70: {  	_ =	shalt  }
0x71: {  	_ =	shalt  }
0x72: {  	_ =	shalt  }
0x73: {  	_ =	shalt  }
0x74: {  	_ =	shalt  }
0x75: {  	_ =	shalt  }
0x76: {  	_ =	shalt  }
0x77: {  	_ =	shalt  }
0x78: {  	_ =	shalt  }
0x79: {  	_ =	shalt  }
0x7a: {  	_ =	shalt  }
0x7b: {  	_ =	shalt  }
0x7c: {  	_ =	shalt  }
0x7d: {  	_ =	shalt  }
0x7e: {  	_ =	shalt  }
0x7f: {  	_ =	shalt  }
0x80: {  	_ =	shalt  }
0x81: {  	_ =	shalt  }
0x82: {  	_ =	shalt  }
0x83: {  	_ =	shalt  }
0x84: {  	_ =	shalt  }
0x85: {  	_ =	shalt  }
0x86: {  	_ =	shalt  }
0x87: {  	_ =	shalt  }
.Lfunc_end0:
.L_simem_size_0:
called_computation_lowered:
.L_overlay_start_0:
0x88: {  	s2 =	sld [smem:$0x3FD9]  }
0x89: {  	s3 =	sld [smem:$0x3FFE];
	_ =	sdelay $0x1  }
0x8a: {  	s1 =	srdreg.scid  }
0x8b: {  	s0 =	sand.u32 $0x1, s1  }
0x8c: {  	s14 =	sshll.u32 s0, $0xA;
	s2 =	sadd.s32 s3, s2  }
0x8d: {  	s2 =	sadd.s32 s2, s14  }
0x8e: {  	[smem:$0x3FBD] =	sst s2  }
0x8f: {  	_ = 	snop  }
0x90: {  	s2 =	sld [smem:$0x3FD0];
	_ =	sdelay $0x2  }
0x91: {  	s4 =	simm.s32 $0xA;
	s5 =	simm.s32 $0x10;
	s15 =	sld [smem:$0x3FC8]  }
0x92: {  	[smem:s5], [sflag:s4] =	dma.local [hbm:s2], $0x1  }
0x93: {  	_ =	swait.eq [sflag:s4], $0x1  }
0x94: {  	[sflag:s4] =	ssyncset.done $0x0  }
0x95: {  	[sflag:s4] =	ssyncadd.s32 $0xFFFFFFFF  }
0x96: {  	s16 =	sld [smem:$0x13];
	(tm) =	ssettm $0x1  }
0x97: {  	s17 =	sld [smem:$0x3FFB];
	_ =	sdelay $0x3  }
0x98: {  	_ =	strace s17  }
0x99: {  	s4 =	sld [smem:$0x3FFC];
	_ =	sdelay $0x3  }
0x9a: {  	_ =	strace s4  }
0x9b: {  	s4 =	sld [smem:$0x3FFD];
	_ =	sdelay $0x3  }
0x9c: {  	_ =	strace s4  }
0x9d: {  	_ =	strace $0x8FFFFFFF  }
0x9e: {  	s18 =	sld [smem:$0x3FDB];
	_ =	sdelay $0x1  }
0x9f: {  	s19 =	simm.s32 $_scs_section_size  }
0xa0: {  	s6 =	simm.s32 $_size__tile_overlayer_lowered;
	s7 =	simm.s32 $_tile_overlayer_lowered  }
0xa1: {  	s22 =	simm.s32 $0x1BFF;
	s21 =	sshll.u32 s7, $0x1;
	s4 =	sadd.s32 s19, s18  }
0xa2: {  	s8 =	simm.s32 $0x0;
	s20 =	sshll.u32 s6, $0x1;
	s6 =	sadd.s32 s21, s4  }
0xa3: {  	[timem:s8], [sflag:s22] =	dma.local [hbm:s6], s20  }
0xa4: {  	_ =	swait.ge [sflag:s22], s20  }
0xa5: {  	s5 =	ssub.s32 $0x0, s20;
	[sflag:s22] =	ssyncset.done $0x0  }
0xa6: {  	[sflag:s22] =	ssyncadd.s32 s5;
	_ =	sdelay $0x1  }
0xa7: {  	s23 =	simm.s32 $0x1B8B  }
0xa8: {  	_ =	swait.ge [sflag:s23], $0x1  }
0xa9: {  	[sflag:s23] =	ssyncset.done $0x0  }
0xaa: {  	s25 =	simm.s32 $0x1B8E;
	s24 =	sld [smem:$0x3FFE];
	[sflag:s23] =	ssyncadd.s32 $0xFFFFFFFF  }
0xab: {  	s26 =	simm.s32 $execute0_lowered;
	[smem:$0x3FD2] =	sst s25  }
0xac: {  	s6 =	sshll.u32 s26, $0x1;
	_ =	strace $0x80000046;
	[dreg:$0x1] =	wrdreg $0xFFFFFFFF  }
0xad: {  	s28 =	simm.s32 $_size_execute0_lowered;
	s4 =	sadd.s32 s4, s6;
	[dreg:$0x0] =	wrdreg $0x0  }
0xae: {  	s6 =	sshll.u32 s28, $0x1;
	[dreg:$0x2] =	wrdreg s4  }
0xaf: {  	[dreg:$0x3] =	wrdreg s6  }
0xb0: {  	[dreg:$0x4] =	wrdreg $0xC0  }
0xb1: {  	_ =	task [dreg:s8], $0x5FFFF  }
0xb2: {  	[dreg:$0x1] =	wrdreg $0xFFFFFFFF  }
0xb3: {  	[dreg:$0x0] =	wrdreg $0x60  }
0xb4: {  	[dreg:$0x2] =	wrdreg s16  }
0xb5: {  	[dreg:$0x3] =	wrdreg s24  }
0xb6: {  	[dreg:$0x4] =	wrdreg s15  }
0xb7: {  	[dreg:$0x5] =	wrdreg $0x9  }
0xb8: {  	_ =	task.clear_ibuf [dreg:s8], $0x6FFFF;
	_ =	strace $0x90000046  }
0xb9: {  	s29 =	simm.s32 $0x9;
	_ =	strace $0x80000048  }
0xba: {  	_ =	swait.ge [sflag:s29], $0x1  }
0xbb: {  	[sflag:s29] =	ssyncadd.s32 $0xFFFFFFFF  }
0xbc: {  	_ =	strace $0x90000048  }
0xbd: {  	_ =	sfence  }
0xbe: {  	s30 =	sld [smem:$0x0];
	_ =	sdelay $0x2  }
0xbf: {  	s31 =	sshll.u32 s1, $0xD;
	s1 =	sshrl.u32 s1, $0x2  }
0xc0: {  	s3 =	sand.u32 $0x4000, s31;
	s1 =	sadd.s32 s1, s30  }
0xc1: {  	s0 =	sor.u32 s3, s0;
	s1 =	sshll.u32 s1, $0x11  }
0xc2: {  	s0 =	sor.u32 s1, s0  }
0xc3: {  	s0 =	sadd.s32 $0x8F2B, s0  }
0xc4: {  	[sflag:s0] =	ssyncadd.remote.s32 $0x1  }
0xc5: {  	_ =	sfence.sel $0xFFFF  }
0xc6: {  	[dreg:$0x0] =	wrdreg $0xFFFFFFFF;
	(pc) =	sbr.abs _section_cstart, $3  }
0xc7: {  	[dreg:$0x1] =	wrdreg $0xFFFFFFFF  }
0xc8: {  	_ =	task.clear_ibuf [dreg:s8], $0x2FFFF;
	_ =	strace $0x9FFFFFFF  }
0xc9: {  	(tm) =	ssettm $0x7FFFFFFF  }
tec
execute0_lowered:
.L_overlay_start_1:
0x0: {  	(tag) =	ssettag $0x1  }
0x1: {  	s4 =	rddreg [dreg:$0x0]  }
0x2: {  	s0 =	rddreg [dreg:$0x1]  }
0x3: {  	s1 =	srdreg.scid;
	s2 =	stileid.u32  }
0x4: {  	s12 =	simm.s32 $0x0;
	v2 =	vimm.s32 $0xECA86420;
	s19 =	simm.s32 $0x400;
	s1 =	sand.u32 $0x1, s1  }
0x5: {  	v1 =	vlaneseq.u32;
	vm0 =	vcmask $0xB08;
	vm1 =	vcmask $0x1310;
	s2 =	sshll.u32 s2, $0x1;
	[smem:$0x7FF] =	sst s12;
	s28 =	sadd.s32 $0x100, s4  }
0x6: {  	vm2 =	vcmask $0x1B18;
	vm3 =	vcmask $0x300;
	vm4 =	vcmask $0x2320;
	s29 =	sadd.s32 $0x200, s4;
	_ =	strace $0x80000047;
	[dreg:$0xa] =	wrdreg s28  }
0x7: {  	vm5 =	vcmask $0x2B28;
	vm6 =	vcmask $0x3330;
	vm7 =	vcmask $0x3B38;
	s30 =	sadd.s32 $0x300, s4;
	s2 =	sor.u32 s1, s2;
	[dreg:$0xb] =	wrdreg s29  }
0x8: {  	vm8 =	vmmov $0xff;
	vm11 =	vcmask $0xF0C;
	vm12 =	vcmask $0x1714;
	s1 =	ssub.s32 $0x2, s1;
	[dreg:$0xc] =	wrdreg s30;
	s3 =	sshll.u32 s2, $0x7  }
0x9: {  	vm13 =	vcmask $0x1F1C;
	vm14 =	vcmask $0x2724;
	vm15 =	vcmask $0x2F2C;
	s5 =	sshll.u32 s2, $0xA;
	s26 =	sshrl.u32 s1, $0x1;
	s3 =	sadd.s32 s3, s0  }
0xa: {  	vm9 =	vmmov $0xffff;
	v8 =	vimm.s32 $0x0;
	v3 =	vunpack.c.l.s4.s8 v2;
	s2 =	sshll.u32 s2, $0x3;
	s0 =	sadd.s32 s5, s0;
	s3 =	sadd.s32 $0x1800, s3  }
0xb: {  	v2 =	vimm.s32 $0x0;
	v4 =	vmul.u32 $0x2, v1;
	v5 =	vand.u32 $0x7, v1;
	s1 =	ssub.s32 s1, s26;
	s0 =	sadd.s32 $0x2800, s0;
	[dreg:$0x9] =	wrdreg s3  }
0xc: {  	v6 =	vshrl.u32 v1, $0x3;
	v7 =	vor.u32 $0x8, v1;
	v8 =	vsel vm9, $0xFFFFFFFF, v8;
	s2 =	sor.u32 $0xF00, s2;
	s31 =	smax.u32 s1, $0x1;
	[dreg:$0xd] =	wrdreg s0  }
0xd: {  	v6 =	vmul.u32 $0x8, v6;
	[tilespmem:$0x1FFF0] =	vst v8;
	v3 =	vunpack.c.0.s8.s32 v3;
	v0 =	vmov s2;
	s1 =	simm.s32 $0x2;
	s2 =	simm.s32 $0x0;
	[dreg:$0xe] =	wrdreg s31  }
.LBB2_1:
0xe: {  	v8 =	vor.u32 s12, v1  }
0xf: {  	vm9 =	vlt.s32 v8, $0x27  }
0x10: {  	v10 =	vnsel vm9, $0x27, v8  }
0x11: {  	v8 =	vmulhi.u32 $0xCCCCCCCD, v10  }
0x12: {  	v11 =	vmov s12  }
0x13: {  	vm9 =	veq.s32 v11, v1;
	v11 =	vimm.s32 $0x0;
	v8 =	vshrl.u32 v8, $0x5  }
0x14: {  	v11 =	vsel vm9, $0xFFFFFFFF, v11;
	v9 =	vmul.u32 $0xFFFFFFD8, v8  }
0x15: {  	v12 =	vsub.s32 $0x0, v10;
	[tilespmem:$0x1FFE0] =	vst v11  }
0x16: {  	vm9 =	vne.s32 v9, v12;
	v9 =	vld [tilespmem:$0x1FFE0];
	_ =	sdelay $0x4  }
0x17: {  	[dreg:$0xf] =	wrdreg s2;
	vm10 =	vnez.u8 v9  }
0x18: {  	s0 =	rddreg [dreg:$0x9];
	vm9 =	vmand vm10, vm9  }
0x19: {  	[tilespmem:s12], [sflag:$0x2] =	stream.linear.gather [hbm4b:s0+s12], $0x400, $0x38;
	v9 =	vsel vm9, $0xFFFFFFFF, v2;
	[tilespmem:$0xC500] =	vst v63  }
0x1a: {  	_ =	swait.ge [sflag:s1], $0x400;
	v13 =	vadd.s32 v9, v8  }
0x1b: {  	[sflag:s1] =	ssyncset.done $0x0;
	v9 =	vshll.u32 v13, $0x3  }
0x1c: {  	[sflag:s1] =	ssyncadd.s32 $0xFFFFFC00;
	v8 =	vadd.s32 v0, v9  }
0x1d: {  	s7 =	rddreg [dreg:$0x2];
	v8 =	vshra.s32 v8, $0x6  }
0x1e: {  	[tilespmem:s19], [sflag:$0x2] =	stream.linear.gather [hbm4b:s7+s12], $0x80, $0x38;
	[tilespmem:$0xC500] =	vst v63  }
0x1f: {  	_ =	swait.ge [sflag:s1], $0x80  }
0x20: {  	[sflag:s1] =	ssyncset.done $0x0  }
0x21: {  	[sflag:s1] =	ssyncadd.s32 $0xFFFFFF80  }
0x22: {  	v8 =	vld.idx.msk [tilespmem:v8+s19+$0x0], $0xffff;
	_ =	sdelay $0x4  }
0x23: {  	v8 =	vadd.s32 $0x4, v8  }
0x24: {  	(v2sf) =	vpush v8, $0x0  }
0x25: {  	(v2sf) =	vpush v8, $0x7;
	_ =	sdelay $0x2  }
0x26: {  	(v2sf) =	vpush v8, $0x1  }
0x27: {  	(v2sf) =	vpush v8, $0x2;
	_ =	sdelay $0x1  }
0x28: {  	(v2sf) =	vpush v8, $0xB;
	_ =	sdelay $0x2  }
0x29: {  	(v2sf) =	vpush v8, $0x3  }
0x2a: {  	(v2sf) =	vpush v8, $0x4;
	_ =	sdelay $0x1  }
0x2b: {  	(v2sf) =	vpush v8, $0xC;
	_ =	sdelay $0x1  }
0x2c: {  	(v2sf) =	vpush v8, $0x8;
	s8 =	spop (v2sf)  }
0x2d: {  	(v2sf) =	vpush v8, $0x9;
	s13 =	spop (v2sf);
	s2 =	smulhi.u32 $0x66666667, s8  }
0x2e: {  	s0 =	sshra.s32 s8, $0x1F;
	s1 =	smulhi.u32 $0x66666667, s13  }
0x2f: {  	(v2sf) =	vpush v8, $0x5;
	s5 =	sshra.s32 s13, $0x1F;
	s0 =	smul.u32 $0x66666667, s0  }
0x30: {  	s3 =	spop (v2sf);
	s5 =	smul.u32 $0x66666667, s5  }
0x31: {  	(v2sf) =	vpush v8, $0xA;
	s9 =	spop (v2sf);
	s13 =	smulhi.u32 $0x66666667, s3  }
0x32: {  	(v2sf) =	vpush v8, $0xD;
	s3 =	sshra.s32 s3, $0x1F;
	s17 =	sshra.s32 s9, $0x1F;
	s9 =	smulhi.u32 $0x66666667, s9  }
0x33: {  	s15 =	simm.s32 $0x480;
	(v2sf) =	vpush v8, $0x6;
	s10 =	spop (v2sf);
	s3 =	smul.u32 $0x66666667, s3  }
0x34: {  	s4 =	simm.s32 $0x10;
	s16 =	simm.s32 $0x490;
	s11 =	smulhi.u32 $0x66666667, s10  }
0x35: {  	s0 =	sadd.s32 s0, s2;
	s10 =	sshra.s32 s10, $0x1F;
	s23 =	smul.u32 $0x66666667, s17  }
0x36: {  	s22 =	spop (v2sf);
	s1 =	sadd.s32 s5, s1;
	s10 =	smul.u32 $0x66666667, s10  }
0x37: {  	s18 =	sshra.s32 s22, $0x1F;
	s26 =	spop (v2sf);
	s22 =	smulhi.u32 $0x66666667, s22  }
0x38: {  	s28 =	sshra.s32 s1, $0x1F;
	s3 =	sadd.s32 s3, s13;
	s24 =	smul.u32 $0x66666667, s18  }
0x39: {  	(v2sf) =	vpush v8, $0xE;
	s20 =	sshra.s32 s26, $0x1F;
	s21 =	spop (v2sf);
	s26 =	smulhi.u32 $0x66666667, s26  }
0x3a: {  	(v2sf) =	vpush v8, $0xF;
	s18 =	smov.u32 s1;
	v11 =	vmov s28;
	s28 =	sshrl.u32 s0, $0x1F;
	s6 =	smul.u32 $0x66666667, s20  }
0x3b: {  	s5 =	spop (v2sf);
	s25 =	sshra.s32 s21, $0x1F;
	s30 =	smulhi.u32 $0x66666667, s21  }
0x3c: {  	s20 =	spop (v2sf);
	s14 =	sshra.s32 s5, $0x1F;
	s5 =	smulhi.u32 $0x66666667, s5  }
0x3d: {  	s17 =	sadd.s32 s10, s11;
	[dreg:$0x10] =	wrdreg s6;
	s6 =	smul.u32 $0x66666667, s25  }
0x3e: {  	s11 =	sadd.s32 s23, s9;
	s29 =	spop (v2sf);
	s10 =	smul.u32 $0x66666667, s14  }
0x3f: {  	s1 =	sshrl.u32 s11, $0x1F;
	s21 =	smulhi.u32 $0x66666667, s29;
	s8 =	sshra.s32 s29, $0x1F  }
0x40: {  	s25 =	sadd.s32 s24, s22;
	s23 =	smul.u32 $0x66666667, s8;
	s29 =	spop (v2sf)  }
0x41: {  	s9 =	sadd.s32 s6, s30;
	s5 =	sadd.s32 s10, s5;
	s7 =	spop (v2sf)  }
0x42: {  	s2 =	sshrl.u32 s9, $0x1F;
	s31 =	smulhi.u32 $0x66666667, s29;
	s30 =	spop (v2sf)  }
0x43: {  	s9 =	sshra.s32 s9, $0x1;
	s6 =	smulhi.u32 $0x66666667, s30;
	s14 =	sshra.s32 s30, $0x1F  }
0x44: {  	v15 =	vmov s28;
	s13 =	sshra.s32 s29, $0x1F;
	s29 =	sshrl.u32 s3, $0x1F;
	s22 =	smul.u32 $0x66666667, s14  }
0x45: {  	v15 =	vnsel vm3, $0x0, v15;
	s8 =	sshra.s32 s7, $0x1F;
	s7 =	smulhi.u32 $0x66666667, s7;
	s30 =	sshra.s32 s3, $0x1  }
0x46: {  	vm9 =	vcmask $0x704;
	v15 =	vsel vm0, s29, v15;
	s8 =	smul.u32 $0x66666667, s8;
	s24 =	sadd.s32 s22, s6;
	s22 =	sshra.s32 s0, $0x1  }
0x47: {  	v16 =	vmul.u32 $0xFFFFFFD8, v13;
	s3 =	sshra.s32 s3, $0x1F;
	v13 =	vsel vm1, s1, v15;
	s1 =	smul.u32 $0x66666667, s13;
	s6 =	sshra.s32 s0, $0x1F;
	v11 =	vsel vm3, s22, v11  }
0x48: {  	s14 =	sshra.s32 s11, $0x1;
	s11 =	sshra.s32 s11, $0x1F;
	s0 =	spop (v2sf);
	v12 =	vsel vm9, s6, v11  }
0x49: {  	s29 =	sadd.s32 s8, s7;
	s22 =	sshra.s32 s20, $0x1F;
	s28 =	spop (v2sf);
	v14 =	vsel vm0, s30, v12  }
0x4a: {  	s13 =	sshra.s32 s24, $0x1;
	s6 =	sshra.s32 s25, $0x1;
	s10 =	smul.u32 $0x66666667, s22;
	v14 =	vsel vm11, s3, v14  }
0x4b: {  	v17 =	vand.u32 $0x7, v10;
	v11 =	vmov s9;
	s9 =	rddreg [dreg:$0x10];
	s22 =	sshra.s32 s18, $0x1;
	s30 =	sshra.s32 s0, $0x1F;
	v14 =	vsel vm1, s14, v14  }
0x4c: {  	v9 =	vor.u32 v17, v9;
	s9 =	sadd.s32 s9, s26;
	s26 =	sshra.s32 s5, $0x1;
	s14 =	sshra.s32 s28, $0x1F;
	v14 =	vsel vm12, s11, v14  }
0x4d: {  	v10 =	vadd.s32 v10, v16;
	v12 =	vmov s2;
	s3 =	sshra.s32 s25, $0x1F;
	s2 =	smul.u32 $0x66666667, s14;
	s11 =	sshrl.u32 s5, $0x1F;
	v14 =	vsel vm2, s6, v14  }
.LBB2_2:
0x4e: {  	s5 =	smulhi.u32 $0x66666667, s20  }
0x4f: {  	v15 =	vmov s11;
	s1 =	sadd.s32 s1, s31;
	s0 =	smulhi.u32 $0x66666667, s0  }
0x50: {  	s20 =	smov.u32 s4;
	s6 =	sshrl.u32 s29, $0x1F;
	v14 =	vsel vm13, s3, v14;
	s7 =	smul.u32 $0x66666667, s30;
	v9 =	vshll.u32 v9, $0x7;
	v10 =	vshra.s32 v10, $0x3  }
0x51: {  	s14 =	sshra.s32 s9, $0x1;
	s8 =	sshrl.u32 s25, $0x1F;
	s11 =	smulhi.u32 $0x66666667, s28;
	vm9 =	vcmask $0x3734;
	v17 =	vmov s26;
	v12 =	vsel vm0, s6, v12  }
0x52: {  	s6 =	sadd.s32 s23, s21;
	v14 =	vsel vm4, s14, v14;
	s23 =	sshra.s32 s9, $0x1F;
	v13 =	vsel vm2, s8, v13;
	s14 =	sshrl.u32 s9, $0x1F;
	v16 =	vand.u32 $0x7F, v10  }
0x53: {  	s25 =	sshrl.u32 s1, $0x1F;
	v18 =	vand.u32 $0xFFFFFF80, v10;
	v60 =	vor.u32 s20, v1;
	s5 =	sadd.s32 s10, s5;
	v14 =	vsel vm14, s23, v14;
	s10 =	sshra.s32 s6, $0x1  }
0x54: {  	s21 =	sshra.s32 s6, $0x1F;
	v13 =	vsel vm4, s14, v13;
	s6 =	sshrl.u32 s6, $0x1F;
	s0 =	sadd.s32 s7, s0;
	v9 =	vadd.s32 v9, v18;
	v14 =	vsel vm5, s10, v14  }
0x55: {  	s14 =	sshrl.u32 s24, $0x1F;
	s23 =	sshrl.u32 s5, $0x1F;
	v13 =	vsel vm5, s6, v13;
	s7 =	sshrl.u32 s0, $0x1F;
	v9 =	vor.u32 v16, v9;
	v14 =	vsel vm15, s21, v14  }
0x56: {  	s1 =	sshra.s32 s1, $0x1;
	s2 =	sadd.s32 s2, s11;
	s5 =	sshra.s32 s5, $0x1;
	v15 =	vsel vm0, s23, v15;
	v13 =	vsel vm6, s14, v13;
	v12 =	vsel vm1, s7, v12  }
0x57: {  	s21 =	sshra.s32 s24, $0x1F;
	s24 =	sshrl.u32 s2, $0x1F;
	v17 =	vsel vm0, s5, v17;
	v14 =	vsel vm6, s13, v14;
	v15 =	vsel vm1, s25, v15;
	s25 =	sshra.s32 s29, $0x1  }
0x58: {  	s0 =	sshra.s32 s0, $0x1;
	v17 =	vsel vm1, s1, v17;
	v12 =	vsel vm2, s24, v12;
	v11 =	vsel vm0, s25, v11  }
0x59: {  	s2 =	sshra.s32 s2, $0x1;
	s7 =	sshra.s32 s17, $0x1;
	v14 =	vsel vm9, s21, v14;
	vm9 =	vlt.s32 v60, $0x27;
	v11 =	vsel vm1, s0, v11  }
0x5a: {  	s31 =	sshrl.u32 s17, $0x1F;
	v17 =	vsel vm2, s7, v17;
	v18 =	vnsel vm9, $0x27, v60;
	v11 =	vsel vm2, s2, v11  }
0x5b: {  	s23 =	sshrl.u32 s18, $0x1F;
	v15 =	vsel vm2, s31, v15;
	v61 =	vmulhi.u32 $0xCCCCCCCD, v18;
	v11 =	vcombine.low v17, v11  }
0x5c: {  	v13 =	vsel vm7, s23, v13;
	v14 =	vsel vm7, s22, v14;
	v12 =	vcombine.low v15, v12  }
0x5d: {  	v14 =	vperm.xlane v14, v4;
	v15 =	vshrl.u32 v61, $0x5;
	v11 =	vperm.xlane v11, v3  }
0x5e: {  	v13 =	vperm.xlane v13, v4;
	v12 =	vperm.xlane v12, v3;
	v62 =	vmul.u32 $0xFFFFFFD8, v15  }
0x5f: {  	v63 =	vsub.s32 $0x0, v18;
	v11 =	vsel vm8, v14, v11;
	v14 =	vmov s20  }
0x60: {  	v12 =	vsel vm8, v13, v12;
	vm10 =	vne.s32 v62, v63;
	vm9 =	veq.s32 v14, v1  }
0x61: {  	v13 =	vld.idx.msk [tilespmem:v9+s12+$0x0], $0xffff;
	v9 =	vadd.s32 v12, v11;
	vm9 =	vmand vm9, vm10  }
0x62: {  	v9 =	vmul.u32 $0x5, v9;
	v11 =	vsel vm9, $0xFFFFFFFF, v2  }
0x63: {  	v11 =	vadd.s32 v11, v15  }
0x64: {  	v8 =	vsub.s32 v8, v9;
	v15 =	vmul.u32 $0xFFFFFFD8, v11;
	v11 =	vshll.u32 v11, $0x3  }
0x65: {  	vm9 =	vgt.s32 v10, v8;
	v8 =	vadd.s32 v0, v11  }
0x66: {  	v14 =	vmul.u32 $0x202, v10;
	v8 =	vshra.s32 v8, $0x6  }
0x67: {  	v12 =	vand.u32 $0x7, v18  }
0x68: {  	v9 =	vor.u32 v12, v11;
	v11 =	vadd.s32 v14, v13  }
0x69: {  	v11 =	vsel vm9, $0xA0A, v11  }
0x6a: {  	[tilespmem:s15+$0x0] =	vst v11  }
0x6b: {  	v8 =	vld.idx.msk [tilespmem:v8+s19+$0x0], $0xffff;
	_ =	sdelay $0x4  }
0x6c: {  	v8 =	vadd.s32 $0x4, v8  }
0x6d: {  	(v2sf) =	vpush v8, $0x0  }
0x6e: {  	(v2sf) =	vpush v8, $0x7;
	_ =	sdelay $0x2  }
0x6f: {  	(v2sf) =	vpush v8, $0x1  }
0x70: {  	(v2sf) =	vpush v8, $0x2  }
0x71: {  	(v2sf) =	vpush v8, $0xB;
	_ =	sdelay $0x2  }
0x72: {  	(v2sf) =	vpush v8, $0x3  }
0x73: {  	(v2sf) =	vpush v8, $0x4;
	_ =	sdelay $0x1  }
0x74: {  	(v2sf) =	vpush v8, $0xC;
	_ =	sdelay $0x1  }
0x75: {  	s8 =	smov.u32 s16;
	(v2sf) =	vpush v8, $0x8  }
0x76: {  	[dreg:$0x5] =	wrdreg s8;
	s9 =	spop (v2sf)  }
0x77: {  	(v2sf) =	vpush v8, $0x9;
	s0 =	smulhi.u32 $0x66666667, s9;
	s10 =	spop (v2sf)  }
0x78: {  	s5 =	sadd.s32 $0x10, s4;
	s6 =	sshra.s32 s9, $0x1F;
	s18 =	smulhi.u32 $0x66666667, s10  }
0x79: {  	[dreg:$0x4] =	wrdreg s5;
	(v2sf) =	vpush v8, $0x5;
	s11 =	sshra.s32 s10, $0x1F;
	s6 =	smul.u32 $0x66666667, s6  }
0x7a: {  	p0 =	sne.s32 s4, $0x20;
	s12 =	spop (v2sf);
	s1 =	smul.u32 $0x66666667, s11  }
0x7b: {  	(v2sf) =	vpush v8, $0xA;
	s13 =	sshra.s32 s12, $0x1F;
	s19 =	spop (v2sf);
	s24 =	smulhi.u32 $0x66666667, s12  }
0x7c: {  	s10 =	sadd.s32 $0x10, s16;
	s21 =	spop (v2sf);
	s5 =	smul.u32 $0x66666667, s13  }
0x7d: {  	s20 =	sshra.s32 s19, $0x1F;
	s6 =	sadd.s32 s6, s0;
	s22 =	smulhi.u32 $0x66666667, s21  }
0x7e: {  	s23 =	sshra.s32 s21, $0x1F;
	s15 =	sadd.s32 s1, s18;
	s18 =	smulhi.u32 $0x66666667, s19  }
0x7f: {  	s14 =	spop (v2sf);
	s9 =	smul.u32 $0x66666667, s20;
	s21 =	smov.u32 s10  }
0x80: {  	(v2sf) =	vpush v8, $0xD;
	s12 =	sshra.s32 s14, $0x1F;
	s2 =	spop (v2sf);
	s11 =	smul.u32 $0x66666667, s23  }
0x81: {  	s3 =	sshra.s32 s15, $0x1F;
	s24 =	sadd.s32 s5, s24;
	s14 =	smulhi.u32 $0x66666667, s14  }
0x82: {  	s17 =	sshra.s32 s2, $0x1F;
	s19 =	spop (v2sf);
	s13 =	sadd.s32 s9, s18  }
0x83: {  	(v2sf) =	vpush v8, $0x6;
	s18 =	sshra.s32 s24, $0x1;
	s2 =	smulhi.u32 $0x66666667, s2;
	s23 =	sshra.s32 s19, $0x1F  }
0x84: {  	s26 =	sadd.s32 s11, s22;
	s25 =	spop (v2sf);
	s22 =	smul.u32 $0x66666667, s12  }
0x85: {  	s7 =	smulhi.u32 $0x66666667, s19;
	s1 =	sshrl.u32 s13, $0x1F;
	[dreg:$0x8] =	wrdreg s26  }
0x86: {  	(v2sf) =	vpush v8, $0xE;
	s29 =	sshra.s32 s13, $0x1;
	s26 =	smul.u32 $0x66666667, s17;
	s20 =	spop (v2sf)  }
0x87: {  	vm2 =	vmmov vm1;
	s11 =	sshra.s32 s25, $0x1F;
	[dreg:$0x7] =	wrdreg s1;
	s8 =	smul.u32 $0x66666667, s23  }
0x88: {  	vm1 =	vmmov vm0;
	vm0 =	vmmov vm8;
	(v2sf) =	vpush v8, $0xF;
	s10 =	smulhi.u32 $0x66666667, s25;
	s12 =	spop (v2sf);
	s4 =	sshra.s32 s20, $0x1F  }
0x89: {  	vm8 =	vmmov vm7;
	vm7 =	vmmov vm6;
	vm6 =	vmmov vm5;
	s25 =	sadd.s32 s22, s14;
	[dreg:$0x6] =	wrdreg s26;
	s5 =	smulhi.u32 $0x66666667, s12  }
0x8a: {  	vm5 =	vmmov vm4;
	vm4 =	vmmov vm3;
	vm3 =	vmmov vm15;
	s26 =	spop (v2sf);
	s23 =	sshra.s32 s12, $0x1F;
	s7 =	sadd.s32 s8, s7  }
0x8b: {  	vm15 =	vmmov vm14;
	vm14 =	vmmov vm13;
	v12 =	vmov s3;
	s8 =	smul.u32 $0x66666667, s11;
	s14 =	sshra.s32 s25, $0x1;
	s3 =	sshra.s32 s25, $0x1F  }
0x8c: {  	vm13 =	vmmov vm14;
	vm14 =	vmmov vm15;
	vm15 =	vmmov vm3;
	s9 =	sshra.s32 s26, $0x1F;
	s23 =	smul.u32 $0x66666667, s23;
	s17 =	sshrl.u32 s7, $0x1F  }
0x8d: {  	vm3 =	vmmov vm4;
	vm4 =	vmmov vm5;
	vm5 =	vmmov vm6;
	s7 =	sshra.s32 s7, $0x1;
	s31 =	smulhi.u32 $0x66666667, s26;
	s26 =	sshra.s32 s6, $0x1  }
0x8e: {  	vm6 =	vmmov vm7;
	vm10 =	vcmask $0x704;
	s8 =	sadd.s32 s8, s10;
	v12 =	vsel vm3, s26, v12;
	s26 =	sshra.s32 s6, $0x1F;
	s10 =	smul.u32 $0x66666667, s4  }
0x8f: {  	vm7 =	vmmov vm8;
	s6 =	sshrl.u32 s6, $0x1F;
	v13 =	vsel vm10, s26, v12;
	v12 =	vmov s17;
	s17 =	rddreg [dreg:$0x8];
	s12 =	spop (v2sf)  }
0x90: {  	vm8 =	vmmov vm0;
	vm0 =	vmmov vm1;
	v11 =	vmov s7;
	s26 =	sshra.s32 s8, $0x1;
	s1 =	sshra.s32 s12, $0x1F;
	s7 =	smulhi.u32 $0x66666667, s12  }
0x91: {  	v14 =	vmov s6;
	s6 =	sshra.s32 s13, $0x1F;
	v13 =	vsel vm0, s18, v13;
	s18 =	smov.u32 s15;
	s4 =	smul.u32 $0x66666667, s1  }
0x92: {  	s12 =	simm.s32 $0x0;
	s1 =	smul.u32 $0x66666667, s9;
	s19 =	spop (v2sf)  }
0x93: {  	s9 =	rddreg [dreg:$0x6];
	s16 =	smulhi.u32 $0x66666667, s19;
	s22 =	sshra.s32 s19, $0x1F  }
0x94: {  	v14 =	vnsel vm3, $0x0, v14;
	s9 =	sadd.s32 s9, s2;
	s19 =	sshrl.u32 s24, $0x1F;
	s11 =	smul.u32 $0x66666667, s22  }
0x95: {  	s22 =	sshra.s32 s24, $0x1F;
	v14 =	vsel vm0, s19, v14;
	s19 =	simm.s32 $0x400;
	s0 =	spop (v2sf)  }
.Ltmp0:
0x96: {  	v13 =	vsel vm11, s22, v13;
	s22 =	sshra.s32 s15, $0x1;
	s15 =	rddreg [dreg:$0x5];
	(pc) =	sbr.rel @p0 .LBB2_2-.Ltmp0, $4  }
0x97: {  	vm1 =	vmmov vm2;
	s30 =	sshra.s32 s0, $0x1F;
	s28 =	spop (v2sf);
	s24 =	sadd.s32 s11, s16  }
0x98: {  	s16 =	smov.u32 s21;
	s21 =	smov.u32 s5;
	v13 =	vsel vm1, s29, v13;
	s11 =	sshra.s32 s28, $0x1F  }
0x99: {  	vm2 =	vcmask $0x1B18;
	v10 =	vadd.s32 v18, v15;
	v15 =	vsel vm12, s6, v13;
	s2 =	smul.u32 $0x66666667, s11;
	s11 =	sshrl.u32 s8, $0x1F;
	s8 =	rddreg [dreg:$0x7]  }
0x9a: {  	s29 =	sadd.s32 s4, s7;
	s4 =	rddreg [dreg:$0x4];
	s13 =	sshra.s32 s24, $0x1;
	v13 =	vsel vm1, s8, v14;
	v14 =	vsel vm2, s14, v15  }
0x9b: {  	s4 =	smulhi.u32 $0x66666667, s20;
	s1 =	sadd.s32 s1, s31  }
0x9c: {  	v14 =	vsel vm13, s3, v14;
	s20 =	sshrl.u32 s29, $0x1F;
	s5 =	sadd.s32 s23, s21;
	s6 =	sshra.s32 s9, $0x1;
	v15 =	vmov s11;
	vm9 =	vcmask $0x3734  }
0x9d: {  	s0 =	smulhi.u32 $0x66666667, s0;
	s23 =	sshra.s32 s9, $0x1F;
	s7 =	sshrl.u32 s25, $0x1F;
	v16 =	vmov s26;
	v10 =	vshra.s32 v10, $0x3;
	v9 =	vshll.u32 v9, $0x7  }
0x9e: {  	s30 =	smul.u32 $0x66666667, s30;
	s8 =	sshrl.u32 s9, $0x1F;
	s11 =	sshrl.u32 s24, $0x1F;
	v14 =	vsel vm4, s6, v14;
	v13 =	vsel vm2, s7, v13;
	v12 =	vsel vm0, s20, v12  }
0x9f: {  	s14 =	smulhi.u32 $0x66666667, s28;
	s31 =	sshra.s32 s5, $0x1;
	s7 =	sshra.s32 s5, $0x1F;
	v17 =	vand.u32 $0xFFFFFF80, v10;
	v18 =	vand.u32 $0x7F, v10;
	v14 =	vsel vm14, s23, v14  }
0xa0: {  	s5 =	sshrl.u32 s5, $0x1F;
	s4 =	sadd.s32 s10, s4;
	v13 =	vsel vm4, s8, v13;
	s23 =	sshra.s32 s29, $0x1;
	v9 =	vadd.s32 v9, v17;
	v14 =	vsel vm5, s31, v14  }
0xa1: {  	s16 =	sshra.s32 s24, $0x1F;
	s0 =	sadd.s32 s30, s0;
	s9 =	sshrl.u32 s4, $0x1F;
	v13 =	vsel vm5, s5, v13;
	v11 =	vsel vm0, s23, v11;
	v9 =	vor.u32 v18, v9  }
0xa2: {  	s21 =	sshrl.u32 s0, $0x1F;
	s4 =	sshra.s32 s4, $0x1;
	s0 =	sshra.s32 s0, $0x1;
	v14 =	vsel vm15, s7, v14;
	v15 =	vsel vm0, s9, v15;
	v13 =	vsel vm6, s11, v13  }
0xa3: {  	s20 =	sshrl.u32 s18, $0x1F;
	s10 =	sshrl.u32 s1, $0x1F;
	s2 =	sadd.s32 s2, s14;
	v12 =	vsel vm1, s21, v12;
	v16 =	vsel vm0, s4, v16;
	v11 =	vsel vm1, s0, v11  }
0xa4: {  	s1 =	sshra.s32 s1, $0x1;
	s24 =	sshrl.u32 s2, $0x1F;
	s25 =	sshra.s32 s2, $0x1;
	v14 =	vsel vm6, s13, v14;
	v15 =	vsel vm1, s10, v15;
	v13 =	vsel vm7, s20, v13  }
0xa5: {  	s26 =	sshrl.u32 s17, $0x1F;
	s28 =	sshra.s32 s17, $0x1;
	v16 =	vsel vm1, s1, v16;
	v12 =	vsel vm2, s24, v12;
	v11 =	vsel vm2, s25, v11  }
0xa6: {  	v14 =	vsel vm9, s16, v14;
	v16 =	vsel vm2, s28, v16;
	v15 =	vsel vm2, s26, v15  }
0xa7: {  	v14 =	vsel vm7, s22, v14;
	v11 =	vcombine.low v16, v11;
	v12 =	vcombine.low v15, v12  }
0xa8: {  	v13 =	vperm.xlane v13, v4;
	v14 =	vperm.xlane v14, v4  }
0xa9: {  	v11 =	vperm.xlane v11, v3;
	v12 =	vperm.xlane v12, v3;
	_ =	sdelay $0x1  }
0xaa: {  	v9 =	vld.idx.msk [tilespmem:v9+s12+$0x0], $0xffff;
	v11 =	vsel vm8, v14, v11;
	v12 =	vsel vm8, v13, v12  }
0xab: {  	v11 =	vadd.s32 v12, v11  }
0xac: {  	v11 =	vmul.u32 $0x5, v11  }
0xad: {  	v12 =	vmul.u32 $0x202, v10  }
0xae: {  	v8 =	vsub.s32 v8, v11  }
0xaf: {  	vm9 =	vgt.s32 v10, v8;
	v8 =	vadd.s32 v12, v9  }
0xb0: {  	v8 =	vsel vm9, $0xA0A, v8  }
0xb1: {  	[tilespmem:s15+$0x0] =	vst v8  }
0xb2: {  	v8 =	vld [tilespmem:$0x480];
	_ =	sdelay $0x4  }
0xb3: {  	v9 =	vshll.u32 v8, $0x3  }
0xb4: {  	v8 =	vand.u32 $0x7, v8;
	v9 =	vand.u32 $0xFFFFFFC0, v9  }
0xb5: {  	v8 =	vor.u32 v8, v9  }
0xb6: {  	v9 =	vperm.xlane v8, v5  }
0xb7: {  	v10 =	vld [tilespmem:$0x1FFF0]  }
0xb8: {  	v9 =	vadd.s32 v6, v9;
	_ =	sdelay $0x3  }
0xb9: {  	s29 =	rddreg [dreg:$0x0];
	s30 =	simm.s32 $0x500;
	s15 =	simm.s32 $0x0;
	vm9 =	vnez.u8 v10  }
0xba: {  	[tilespmem:s30], [sflag:$0x1] =	stream.indirect_vreg.gather [hbm4b:s29+s15], $0x80, v9, vm9, $0xb8;
	[tilespmem:$0xC500] =	vst v63  }
0xbb: {  	s31 =	rddreg [dreg:$0xa];
	s4 =	simm.s32 $0xD00;
	v8 =	vperm.xlane v8, v7  }
0xbc: {  	[tilespmem:s4], [sflag:$0x1] =	stream.indirect_vreg.gather [hbm4b:s31+s15], $0x80, v9, vm9, $0xb8;
	[tilespmem:$0xC500] =	vst v63  }
0xbd: {  	s6 =	simm.s32 $0x1500;
	s5 =	rddreg [dreg:$0xb];
	v8 =	vadd.s32 v6, v8  }
0xbe: {  	[tilespmem:s6], [sflag:$0x1] =	stream.indirect_vreg.gather [hbm4b:s5+s15], $0x80, v9, vm9, $0xb8;
	[tilespmem:$0xC500] =	vst v63  }
0xbf: {  	s8 =	simm.s32 $0x1D00;
	s7 =	rddreg [dreg:$0xc]  }
0xc0: {  	[tilespmem:s8], [sflag:$0x1] =	stream.indirect_vreg.gather [hbm4b:s7+s15], $0x80, v9, vm9, $0xb8;
	[tilespmem:$0xC500] =	vst v63  }
0xc1: {  	s9 =	simm.s32 $0x2500  }
0xc2: {  	[tilespmem:s9], [sflag:$0x1] =	stream.indirect_vreg.gather [hbm4b:s29+s15], $0x80, v8, vm9, $0xb8;
	[tilespmem:$0xC500] =	vst v63  }
0xc3: {  	s10 =	simm.s32 $0x2D00  }
0xc4: {  	[tilespmem:s10], [sflag:$0x1] =	stream.indirect_vreg.gather [hbm4b:s31+s15], $0x80, v8, vm9, $0xb8;
	[tilespmem:$0xC500] =	vst v63  }
0xc5: {  	s11 =	simm.s32 $0x3500  }
0xc6: {  	[tilespmem:s11], [sflag:$0x1] =	stream.indirect_vreg.gather [hbm4b:s5+s15], $0x80, v8, vm9, $0xb8;
	[tilespmem:$0xC500] =	vst v63  }
0xc7: {  	s13 =	simm.s32 $0x3D00  }
0xc8: {  	[tilespmem:s13], [sflag:$0x1] =	stream.indirect_vreg.gather [hbm4b:s7+s15], $0x80, v8, vm9, $0xb8;
	[tilespmem:$0xC500] =	vst v63  }
0xc9: {  	v8 =	vld [tilespmem:$0x490];
	_ =	sdelay $0x4  }
0xca: {  	v9 =	vshll.u32 v8, $0x3  }
0xcb: {  	v8 =	vand.u32 $0x7, v8;
	v9 =	vand.u32 $0xFFFFFFC0, v9  }
0xcc: {  	v8 =	vor.u32 v8, v9  }
0xcd: {  	v9 =	vperm.xlane v8, v5;
	_ =	sdelay $0x1  }
0xce: {  	v9 =	vadd.s32 v6, v9;
	_ =	sdelay $0x3  }
0xcf: {  	s14 =	simm.s32 $0x4500  }
0xd0: {  	[tilespmem:s14], [sflag:$0x1] =	stream.indirect_vreg.gather [hbm4b:s29+s15], $0x80, v9, vm9, $0xb8;
	[tilespmem:$0xC500] =	vst v63  }
0xd1: {  	s16 =	simm.s32 $0x4D00;
	v8 =	vperm.xlane v8, v7  }
0xd2: {  	[tilespmem:s16], [sflag:$0x1] =	stream.indirect_vreg.gather [hbm4b:s31+s15], $0x80, v9, vm9, $0xb8;
	[tilespmem:$0xC500] =	vst v63  }
0xd3: {  	s17 =	simm.s32 $0x5500;
	v8 =	vadd.s32 v6, v8  }
0xd4: {  	[tilespmem:s17], [sflag:$0x1] =	stream.indirect_vreg.gather [hbm4b:s5+s15], $0x80, v9, vm9, $0xb8;
	[tilespmem:$0xC500] =	vst v63  }
0xd5: {  	s18 =	simm.s32 $0x5D00  }
0xd6: {  	[tilespmem:s18], [sflag:$0x1] =	stream.indirect_vreg.gather [hbm4b:s7+s15], $0x80, v9, vm9, $0xb8;
	[tilespmem:$0xC500] =	vst v63  }
0xd7: {  	s20 =	simm.s32 $0x6500  }
0xd8: {  	[tilespmem:s20], [sflag:$0x1] =	stream.indirect_vreg.gather [hbm4b:s29+s15], $0x80, v8, vm9, $0xb8;
	[tilespmem:$0xC500] =	vst v63  }
0xd9: {  	s21 =	simm.s32 $0x6D00  }
0xda: {  	[tilespmem:s21], [sflag:$0x1] =	stream.indirect_vreg.gather [hbm4b:s31+s15], $0x80, v8, vm9, $0xb8;
	[tilespmem:$0xC500] =	vst v63  }
0xdb: {  	s22 =	simm.s32 $0x7500  }
0xdc: {  	[tilespmem:s22], [sflag:$0x1] =	stream.indirect_vreg.gather [hbm4b:s5+s15], $0x80, v8, vm9, $0xb8;
	[tilespmem:$0xC500] =	vst v63  }
0xdd: {  	s23 =	simm.s32 $0x7D00  }
0xde: {  	[tilespmem:s23], [sflag:$0x1] =	stream.indirect_vreg.gather [hbm4b:s7+s15], $0x80, v8, vm9, $0xb8;
	[tilespmem:$0xC500] =	vst v63  }
0xdf: {  	v8 =	vld.msk [tilespmem:$0x4A0], $0xff;
	_ =	sdelay $0x4  }
0xe0: {  	v9 =	vshll.u32 v8, $0x3  }
0xe1: {  	v8 =	vand.u32 $0x7, v8;
	v9 =	vand.u32 $0xFFFFFFC0, v9  }
0xe2: {  	v8 =	vor.u32 v8, v9  }
0xe3: {  	v8 =	vperm.xlane v8, v5;
	_ =	sdelay $0x1  }
0xe4: {  	v8 =	vadd.s32 v6, v8;
	_ =	sdelay $0x3  }
0xe5: {  	s24 =	simm.s32 $0x8500  }
0xe6: {  	[tilespmem:s24], [sflag:$0x1] =	stream.indirect_vreg.gather [hbm4b:s29+s15], $0x80, v8, vm9, $0xb8;
	[tilespmem:$0xC500] =	vst v63  }
0xe7: {  	s25 =	simm.s32 $0x8D00  }
0xe8: {  	[tilespmem:s25], [sflag:$0x1] =	stream.indirect_vreg.gather [hbm4b:s31+s15], $0x80, v8, vm9, $0xb8;
	[tilespmem:$0xC500] =	vst v63  }
0xe9: {  	s26 =	simm.s32 $0x9500  }
0xea: {  	[tilespmem:s26], [sflag:$0x1] =	stream.indirect_vreg.gather [hbm4b:s5+s15], $0x80, v8, vm9, $0xb8;
	[tilespmem:$0xC500] =	vst v63  }
0xeb: {  	s28 =	simm.s32 $0x9D00;
	s29 =	simm.s32 $0x1  }
0xec: {  	[tilespmem:s28], [sflag:$0x1] =	stream.indirect_vreg.gather [hbm4b:s7+s15], $0x80, v8, vm9, $0xb8;
	[tilespmem:$0xC500] =	vst v63  }
0xed: {  	_ =	swait.ge [sflag:s29], $0xA000  }
0xee: {  	s30 =	sand.u32 $0x70, s15;
	s31 =	sand.u32 $0x1C00, s15;
	[sflag:s29] =	ssyncset.done $0x0  }
0xef: {  	s16 =	sor.u32 s30, s31;
	[sflag:s29] =	ssyncadd.s32 $0xFFFF6000  }
0xf0: {  	v14 =	vld [tilespmem:s16+$0x8500]  }
0xf1: {  	v13 =	vld [tilespmem:s16+$0x8580]  }
0xf2: {  	v12 =	vld [tilespmem:s16+$0x8600]  }
0xf3: {  	v9 =	vld [tilespmem:s16+$0x8680]  }
0xf4: {  	v8 =	vld [tilespmem:s16+$0x8700]  }
0xf5: {  	v19 =	vld [tilespmem:s16+$0x6500]  }
0xf6: {  	v18 =	vld [tilespmem:s16+$0x6580]  }
0xf7: {  	v17 =	vld [tilespmem:s16+$0x6600]  }
0xf8: {  	v11 =	vld [tilespmem:s16+$0x6680]  }
0xf9: {  	v10 =	vld [tilespmem:s16+$0x6700]  }
0xfa: {  	v24 =	vld [tilespmem:s16+$0x4500]  }
0xfb: {  	v26 =	vld [tilespmem:s16+$0x4580]  }
0xfc: {  	v20 =	vld [tilespmem:s16+$0x4600]  }
0xfd: {  	v16 =	vld [tilespmem:s16+$0x4680]  }
0xfe: {  	v15 =	vld [tilespmem:s16+$0x4700]  }
0xff: {  	v22 =	vld [tilespmem:s16+$0x2500]  }
0x100: {  	v25 =	vld [tilespmem:s16+$0x500]  }
0x101: {  	v27 =	vld [tilespmem:s16+$0x580]  }
0x102: {  	v28 =	vld [tilespmem:s16+$0x2580]  }
0x103: {  	v29 =	vld [tilespmem:s16+$0x600]  }
0x104: {  	v30 =	vld [tilespmem:s16+$0x2600]  }
0x105: {  	v21 =	vld [tilespmem:s16+$0x680]  }
0x106: {  	v23 =	vld [tilespmem:s16+$0x2680]  }
0x107: {  	v31 =	vadd.f32 v22, v25;
	v22 =	vld [tilespmem:s16+$0x700]  }
0x108: {  	v28 =	vadd.f32 v28, v27;
	v25 =	vld [tilespmem:s16+$0x2700]  }
0x109: {  	v29 =	vadd.f32 v30, v29;
	v27 =	vadd.f32 v24, v31;
	v24 =	vld [tilespmem:s16+$0x780]  }
0x10a: {  	s17 =	simm.s32 $0x0;
	s18 =	simm.s32 $0x10;
	v28 =	vadd.f32 v26, v28;
	v26 =	vld [tilespmem:s16+$0x2780]  }
.LBB2_4:
0x10b: {  	p0 =	sne.s32 s18, $0x3F0;
	v19 =	vadd.f32 v19, v27;
	v20 =	vadd.f32 v20, v29;
	v27 =	vld [tilespmem:s16+$0x800]  }
0x10c: {  	v18 =	vadd.f32 v18, v28;
	v28 =	vld [tilespmem:s16+$0x2800]  }
0x10d: {  	v14 =	vadd.f32 v14, v19;
	v17 =	vadd.f32 v17, v20;
	v19 =	vld [tilespmem:s16+$0x4780]  }
0x10e: {  	v13 =	vadd.f32 v13, v18;
	v18 =	vadd.f32 v23, v21;
	v20 =	vld [tilespmem:s16+$0x4800]  }
0x10f: {  	v12 =	vadd.f32 v12, v17;
	v17 =	vadd.f32 v25, v22;
	v21 =	vld [tilespmem:s16+$0x6780]  }
0x110: {  	v16 =	vadd.f32 v16, v18;
	v18 =	vadd.f32 v26, v24;
	v22 =	vld [tilespmem:s16+$0x6800]  }
0x111: {  	v15 =	vadd.f32 v15, v17;
	v17 =	vld [tilespmem:s16+$0x8780];
	v23 =	vadd.f32 v28, v27  }
0x112: {  	v11 =	vadd.f32 v11, v16;
	v16 =	vadd.f32 v19, v18;
	v18 =	vld [tilespmem:s16+$0x8800]  }
0x113: {  	[tilespmem:s16+$0xA500] =	vst v14;
	v10 =	vadd.f32 v10, v15;
	v14 =	vadd.f32 v20, v23  }
0x114: {  	[tilespmem:s16+$0xA580] =	vst v13;
	v9 =	vadd.f32 v9, v11;
	v11 =	vadd.f32 v21, v16  }
0x115: {  	[tilespmem:s16+$0xA600] =	vst v12;
	v8 =	vadd.f32 v8, v10;
	v10 =	vadd.f32 v22, v14  }
0x116: {  	[tilespmem:s16+$0xA680] =	vst v9;
	v9 =	vadd.f32 v17, v11  }
0x117: {  	[tilespmem:s16+$0xA700] =	vst v8;
	v8 =	vadd.f32 v18, v10  }
0x118: {  	s0 =	sor.u32 s17, s15;
	s15 =	smov.u32 s18;
	[tilespmem:s16+$0xA780] =	vst v9  }
0x119: {  	s0 =	sor.u32 $0x380, s0;
	[tilespmem:s16+$0xA800] =	vst v8;
	v8 =	vld [tilespmem:s16+$0x2880]  }
0x11a: {  	v9 =	vld [tilespmem:s0+$0x500];
	_ =	sdelay $0x1  }
0x11b: {  	v10 =	vld [tilespmem:s16+$0x4880];
	_ =	sdelay $0x1  }
0x11c: {  	v11 =	vld [tilespmem:s16+$0x6880]  }
0x11d: {  	v8 =	vadd.f32 v8, v9  }
0x11e: {  	v9 =	vld [tilespmem:s16+$0x8880]  }
0x11f: {  	v8 =	vadd.f32 v10, v8;
	_ =	sdelay $0x1  }
0x120: {  	v8 =	vadd.f32 v11, v8;
	_ =	sdelay $0x1  }
0x121: {  	s17 =	sadd.s32 $0x80, s17;
	v8 =	vadd.f32 v9, v8  }
0x122: {  	s1 =	sand.u32 $0x70, s18;
	s2 =	sand.u32 $0x1C00, s17  }
0x123: {  	s16 =	sor.u32 s1, s2;
	[tilespmem:s0+$0xA500] =	vst v8  }
0x124: {  	v14 =	vld [tilespmem:s16+$0x8500]  }
0x125: {  	v13 =	vld [tilespmem:s16+$0x8580]  }
0x126: {  	v12 =	vld [tilespmem:s16+$0x8600]  }
0x127: {  	v9 =	vld [tilespmem:s16+$0x8680]  }
0x128: {  	v8 =	vld [tilespmem:s16+$0x8700]  }
0x129: {  	v19 =	vld [tilespmem:s16+$0x6500]  }
0x12a: {  	v18 =	vld [tilespmem:s16+$0x6580]  }
0x12b: {  	v17 =	vld [tilespmem:s16+$0x6600]  }
0x12c: {  	v11 =	vld [tilespmem:s16+$0x6680]  }
0x12d: {  	v10 =	vld [tilespmem:s16+$0x6700]  }
0x12e: {  	v24 =	vld [tilespmem:s16+$0x4500]  }
0x12f: {  	v26 =	vld [tilespmem:s16+$0x4580]  }
0x130: {  	v20 =	vld [tilespmem:s16+$0x4600]  }
0x131: {  	v16 =	vld [tilespmem:s16+$0x4680]  }
0x132: {  	v15 =	vld [tilespmem:s16+$0x4700]  }
0x133: {  	v22 =	vld [tilespmem:s16+$0x2500]  }
0x134: {  	v25 =	vld [tilespmem:s16+$0x500]  }
0x135: {  	v27 =	vld [tilespmem:s16+$0x580]  }
0x136: {  	v28 =	vld [tilespmem:s16+$0x2580]  }
0x137: {  	v29 =	vld [tilespmem:s16+$0x600]  }
0x138: {  	v30 =	vld [tilespmem:s16+$0x2600]  }
0x139: {  	v21 =	vld [tilespmem:s16+$0x680]  }
.Ltmp1:
0x13a: {  	v23 =	vld [tilespmem:s16+$0x2680];
	(pc) =	sbr.rel @p0 .LBB2_4-.Ltmp1, $4  }
0x13b: {  	v31 =	vadd.f32 v22, v25;
	v22 =	vld [tilespmem:s16+$0x700]  }
0x13c: {  	v28 =	vadd.f32 v28, v27;
	v25 =	vld [tilespmem:s16+$0x2700]  }
0x13d: {  	v27 =	vadd.f32 v24, v31;
	v29 =	vadd.f32 v30, v29;
	v24 =	vld [tilespmem:s16+$0x780]  }
0x13e: {  	s18 =	sadd.s32 $0x10, s18;
	v28 =	vadd.f32 v26, v28;
	v26 =	vld [tilespmem:s16+$0x2780]  }
0x13f: {  	v19 =	vadd.f32 v19, v27;
	v44 =	vld [tilespmem:s16+$0x800]  }
0x140: {  	v20 =	vadd.f32 v20, v29;
	v45 =	vld [tilespmem:s16+$0x2800];
	v47 =	vadd.f32 v23, v21  }
0x141: {  	v46 =	vld [tilespmem:s16+$0x4780];
	v18 =	vadd.f32 v18, v28;
	v14 =	vadd.f32 v14, v19  }
0x142: {  	v48 =	vld [tilespmem:s16+$0x4800];
	v17 =	vadd.f32 v17, v20;
	v49 =	vadd.f32 v25, v22  }
0x143: {  	v50 =	vld [tilespmem:s16+$0x6780];
	v16 =	vadd.f32 v16, v47;
	v13 =	vadd.f32 v13, v18  }
0x144: {  	v52 =	vld [tilespmem:s16+$0x6800];
	v12 =	vadd.f32 v12, v17;
	v51 =	vadd.f32 v26, v24  }
0x145: {  	v53 =	vld [tilespmem:s16+$0x8780];
	v15 =	vadd.f32 v15, v49;
	v54 =	vadd.f32 v45, v44  }
0x146: {  	v56 =	vld [tilespmem:s16+$0x8800];
	v11 =	vadd.f32 v11, v16;
	v55 =	vadd.f32 v46, v51  }
0x147: {  	[tilespmem:s16+$0xA500] =	vst v14;
	v10 =	vadd.f32 v10, v15;
	v57 =	vadd.f32 v48, v54  }
0x148: {  	[tilespmem:s16+$0xA580] =	vst v13;
	v9 =	vadd.f32 v9, v11;
	v58 =	vadd.f32 v50, v55  }
0x149: {  	[tilespmem:s16+$0xA600] =	vst v12;
	v8 =	vadd.f32 v8, v10;
	v59 =	vadd.f32 v52, v57  }
0x14a: {  	[tilespmem:s16+$0xA680] =	vst v9;
	v60 =	vadd.f32 v53, v58  }
0x14b: {  	[tilespmem:s16+$0xA700] =	vst v8;
	v8 =	vadd.f32 v56, v59  }
0x14c: {  	s0 =	sor.u32 s17, s15;
	[tilespmem:s16+$0xA780] =	vst v60  }
0x14d: {  	s0 =	sor.u32 $0x380, s0;
	[tilespmem:s16+$0xA800] =	vst v8;
	v8 =	vld [tilespmem:s16+$0x2880]  }
0x14e: {  	v9 =	vld [tilespmem:s0+$0x500];
	_ =	sdelay $0x1  }
0x14f: {  	v61 =	vld [tilespmem:s16+$0x4880];
	_ =	sdelay $0x1  }
0x150: {  	v62 =	vld [tilespmem:s16+$0x6880]  }
0x151: {  	v8 =	vadd.f32 v8, v9  }
0x152: {  	v63 =	vld [tilespmem:s16+$0x8880]  }
0x153: {  	v8 =	vadd.f32 v61, v8;
	_ =	sdelay $0x1  }
0x154: {  	v8 =	vadd.f32 v62, v8;
	_ =	sdelay $0x1  }
0x155: {  	v8 =	vadd.f32 v63, v8;
	_ =	sdelay $0x1  }
0x156: {  	s30 =	rddreg [dreg:$0xd];
	s1 =	simm.s32 $0xA500;
	[tilespmem:s0+$0xA500] =	vst v8  }
0x157: {  	[hbm4b:s30+s12] =	stream.linear.scatter [tilespmem:s1], [sflag:$0x2], $0x2000, $0x38;
	[tilespmem:$0xC500] =	vst v63  }
0x158: {  	s1 =	simm.s32 $0x2  }
0x159: {  	_ =	swait.ge [sflag:s1], $0x2000  }
0x15a: {  	s2 =	rddreg [dreg:$0xf]  }
0x15b: {  	s31 =	rddreg [dreg:$0xe];
	s2 =	sadd.s32 $0x1, s2  }
0x15c: {  	p0 =	sne.s32 s2, s31  }
.Ltmp2:
0x15d: {  	_ = 	snop;
	(pc) =	sbr.rel @p0 .LBB2_1-.Ltmp2, $3  }
0x15e: {  	_ =	sdelay $0x1  }
0x15f: {  	[sflag:s1] =	ssyncset.done $0x0  }
0x160: {  	[sflag:s1] =	ssyncadd.s32 $0xFFFFE000  }
0x161: {  	_ =	sfence.sel $0x180000  }
0x162: {  	[bflag:$0x0] =	sbarrier.arrive $0xFFFF  }
0x163: {  	_ =	strace $0x90000047  }
0x164: {  	s0 =	stileid.u32;
	[bflag:$0x2] =	sbarrier.arrive $0xFFFF  }
0x165: {  	p0 =	sne.s32 s0, $0x0;
	s0 =	rddreg [dreg:$0x3]  }
0x166: {  	s0 =	sadd.s32 @!p0 $0x100000, s0  }
0x167: {  	[sflag:s0] =	ssyncadd.tile.s32 @!p0 $0x1;
	_ =	shalt  }
.Lfunc_end2:
_tile_overlayer_lowered:
.L_overlay_start_2:
0x168: {  	(tag) =	ssettag $0x2  }
0x169: {  	s0 =	rddreg [dreg:$0x0];
	s2 =	stileid.u32  }
0x16a: {  	s1 =	rddreg [dreg:$0x1];
	p0 =	sne.s32 s2, $0x0  }
0x16b: {  	s3 =	rddreg [dreg:$0x2];
	[bflag:$0x3] =	sbarrier.arrive $0xFFFF;
	s2 =	simm.s32 @!p0 $0x1C02  }
0x16c: {  	[timem:s3], [sflag:s2] =	dma.local @!p0 [hbm:s0], s1  }
0x16d: {  	s0 =	simm.s32 @!p0 $0x2  }
0x16e: {  	_ =	swait.ge @!p0 [sflag:s0], s1  }
0x16f: {  	s1 =	ssub.s32 @!p0 $0x0, s1;
	[sflag:s0] =	ssyncset.done @!p0 $0x0  }
0x170: {  	[sflag:s0] =	ssyncadd.s32 @!p0 s1  }
0x171: {  	[bflag:$0x3] =	sbarrier.arrive $0xFFFF  }
0x172: {  	_ =	shalt  }

</sc_bundles>
